<compile_context>
chip_gen: v7x
topology: tpu7x:2x2x1
jax: 0.10.2.dev20260603
libtpu: 0.0.44.dev20260713+nightly
codegen_flags: <defaults>
</compile_context>

<pallas_src>
import dataclasses

import jax
import jax.numpy as jnp
from jax.experimental import pallas as pl
from jax.experimental.pallas import tpu as pltpu
from jax.experimental.pallas import tpu_sc as plsc

_N = 68
_E = 544
_H = 128
_K = 16
_EPS = 1e-15
_P = 128
_CPC = 17


def _sc_build_a_body(edge_hbm, out_hbm, src_v, dst_v, oh_v, shared):
    c = jax.lax.axis_index("c")
    s = jax.lax.axis_index("s")
    zero16 = jnp.zeros((16,), jnp.float32)
    for r in range(16):
        for g in range(_P // 16):
            oh_v[r, pl.ds(16 * g, 16)] = zero16

    @pl.when(s < 4)
    def _():
        pltpu.sync_copy(oh_v, shared.at[pl.ds(s * 16, 16)])

    @pl.when(s == 4)
    def _():
        pltpu.sync_copy(oh_v.at[pl.ds(0, 4)], shared.at[pl.ds(64, 4)])

    plsc.subcore_barrier()

    rows16 = jax.lax.iota(jnp.int32, 16)
    ones16 = jnp.zeros((16,), jnp.float32) + 1.0
    zeros16f = jnp.zeros((16,), jnp.float32)

    def do_chunk(chunk):
        pltpu.sync_copy(edge_hbm.at[0].at[pl.ds(chunk * 16, 16)], src_v.at[0])
        pltpu.sync_copy(edge_hbm.at[1].at[pl.ds(chunk * 16, 16)], dst_v.at[0])
        sv = src_v[0, :]
        plsc.store_scatter(oh_v, [rows16, sv], ones16)
        pltpu.sync_copy(oh_v, shared.at[dst_v.at[0]], add=True)
        plsc.store_scatter(oh_v, [rows16, sv], zeros16f)

    do_chunk(c * _CPC + s)

    @pl.when(s == 0)
    def _():
        do_chunk(c * _CPC + 16)

    plsc.subcore_barrier()

    @pl.when(s < 4)
    def _():
        pltpu.sync_copy(shared.at[pl.ds(s * 16, 16)],
                        out_hbm.at[c].at[pl.ds(s * 16, 16)])

    @pl.when(s == 4)
    def _():
        pltpu.sync_copy(shared.at[pl.ds(64, 4)], out_hbm.at[c].at[pl.ds(64, 4)])


def _sc_build_a(edge_index):
    mesh = plsc.VectorSubcoreMesh(core_axis_name="c", subcore_axis_name="s")
    cp = pltpu.CompilerParams()
    if "needs_layout_passes" in pltpu.CompilerParams.__dataclass_fields__:
        cp = dataclasses.replace(cp, needs_layout_passes=False)
    f = pl.kernel(
        _sc_build_a_body,
        out_type=jax.ShapeDtypeStruct((2, _N, _P), jnp.float32),
        mesh=mesh,
        scratch_types=[
            pltpu.VMEM((1, 16), jnp.int32),
            pltpu.VMEM((1, 16), jnp.int32),
            pltpu.VMEM((16, _P), jnp.float32),
            pltpu.VMEM_SHARED((_N, _P), jnp.float32),
        ],
        compiler_params=cp,
    )
    return f(edge_index)


def _pool_body(adj_ref, s_ref, ssm_ref, oadj_ref, loss_ref):
    f32 = jnp.float32
    s = s_ref[...][0]
    m = jnp.max(s, axis=1, keepdims=True)
    e = jnp.exp(s - m)
    ssm = e / jnp.sum(e, axis=1, keepdims=True)
    ssm_ref[...] = ssm

    adj = adj_ref[...][0]
    sta = jax.lax.dot_general(ssm, adj, (((0,), (0,)), ((), ())),
                              preferred_element_type=f32)
    oadj = jnp.dot(sta, ssm, preferred_element_type=f32)
    oadj_ref[...] = oadj.reshape(1, _K, _K)

    sst = jax.lax.dot_general(ssm, ssm, (((1,), (1,)), ((), ())),
                              preferred_element_type=f32)
    link = adj - sst
    ll = jnp.sqrt(jnp.sum(link * link, keepdims=True)) / (_N * _N)
    ent = -jnp.sum(ssm * jnp.log(ssm + _EPS), keepdims=True) / _N
    loss_ref[...] = jnp.concatenate([ll, ent], axis=1)


def _conv_body(a_ref, x_ref, ssm_ref,
               w1r_ref, b1_ref, w1s_ref,
               w2r_ref, b2_ref, w2s_ref,
               w3r_ref, b3_ref, w3s_ref,
               out_ref):
    f32 = jnp.float32
    ap = a_ref[...]
    a_mat = (ap[0] + ap[1])[:, 0:_N]

    def layer(h, wr, b, wroot):
        rel = jax.lax.dot_general(h, wr, (((1,), (1,)), ((), ())),
                                  preferred_element_type=f32)
        agg = jnp.dot(a_mat, rel, preferred_element_type=f32)
        root = jax.lax.dot_general(h, wroot, (((1,), (1,)), ((), ())),
                                   preferred_element_type=f32)
        return jnp.maximum(agg + root + b, 0.0)

    h = layer(x_ref[...], w1r_ref[...], b1_ref[...], w1s_ref[...])
    h = layer(h, w2r_ref[...], b2_ref[...], w2s_ref[...])
    h = layer(h, w3r_ref[...], b3_ref[...], w3s_ref[...])

    ssm = ssm_ref[...]
    out = jax.lax.dot_general(ssm, h, (((0,), (0,)), ((), ())),
                              preferred_element_type=f32)
    out_ref[...] = out.reshape(1, _K, _H)


def kernel(x, edge_index, pos, adj, s,
           W1_rel, b1, W1_root, W2_rel, b2, W2_root, W3_rel, b3, W3_root):
    a_pad = _sc_build_a(edge_index)

    ssm, out_adj, losses = pl.pallas_call(
        _pool_body,
        out_shape=[
            jax.ShapeDtypeStruct((_N, _K), jnp.float32),
            jax.ShapeDtypeStruct((1, _K, _K), jnp.float32),
            jax.ShapeDtypeStruct((1, 2), jnp.float32),
        ],
    )(adj, s)

    out, = pl.pallas_call(
        _conv_body,
        out_shape=[jax.ShapeDtypeStruct((1, _K, _H), jnp.float32)],
    )(a_pad, x, ssm,
      W1_rel, b1, W1_root, W2_rel, b2, W2_root, W3_rel, b3, W3_root)
    return (out, out_adj, losses[0, 0], losses[0, 1], pos)

# --- scband reference (transcript-rebuilt; emitter-appended) ---
"""Pipeline reference for scband-lmrk-encoder-h-8443905704051 (READ-ONLY COPY).

The authoritative reference and input builder live on the scoring server;
editing this copy changes nothing except your own understanding.
"""

import jax, jax.numpy as jnp
import numpy as np

N_NODES = 68
F_IN = 2
H = 128
N_CLUSTERS = 16
N_EDGES = 544
EPS = 1e-15


def _glorot(k, shape):
    lim = float(np.sqrt(6.0 / (shape[0] + shape[1])))
    return jax.random.uniform(k, shape, minval=-lim, maxval=lim, dtype=jnp.float32)


def setup_inputs(seed: int = 0) -> dict:
    key = jax.random.key(seed)
    ks = jax.random.split(key, 12)
    inp = {}
    inp["x"] = jax.random.normal(ks[0], (N_NODES, F_IN), dtype=jnp.float32)
    inp["edge_index"] = jax.random.randint(ks[1], (2, N_EDGES), 0, N_NODES, dtype=jnp.int32)
    inp["pos"] = jax.random.normal(ks[2], (N_NODES, 2), dtype=jnp.float32)
    inp["adj"] = jax.random.uniform(ks[3], (1, N_NODES, N_NODES), dtype=jnp.float32)
    inp["s"] = jax.random.normal(ks[4], (1, N_NODES, N_CLUSTERS), dtype=jnp.float32)
    # GraphConv params: lin_rel (weight+bias) applied to aggregated neighbors, lin_root (no bias) applied to self
    inp["W1_rel"] = _glorot(ks[5], (H, F_IN))
    inp["b1"] = jnp.zeros((H,), jnp.float32)
    inp["W1_root"] = _glorot(ks[6], (H, F_IN))
    inp["W2_rel"] = _glorot(ks[7], (H, H))
    inp["b2"] = jnp.zeros((H,), jnp.float32)
    inp["W2_root"] = _glorot(ks[8], (H, H))
    inp["W3_rel"] = _glorot(ks[9], (H, H))
    inp["b3"] = jnp.zeros((H,), jnp.float32)
    inp["W3_root"] = _glorot(ks[10], (H, H))
    return inp


def _graph_conv(x, src, dst, W_rel, b, W_root):
    # PyG GraphConv with aggr='add': out_i = W_rel @ (sum_{j in N(i)} x_j) + b + W_root @ x_i
    msg = x[src]
    aggr = jnp.zeros((x.shape[0], x.shape[1]), dtype=x.dtype).at[dst].add(msg)
    return aggr @ W_rel.T + b + x @ W_root.T


def reference(x, edge_index, pos, adj, s, W1_rel, b1, W1_root, W2_rel, b2, W2_root, W3_rel, b3, W3_root):
    src, dst = edge_index[0], edge_index[1]
    h = jax.nn.relu(_graph_conv(x, src, dst, W1_rel, b1, W1_root))
    h = jax.nn.relu(_graph_conv(h, src, dst, W2_rel, b2, W2_root))
    h = jax.nn.relu(_graph_conv(h, src, dst, W3_rel, b3, W3_root))
    hx = h.reshape(1, N_NODES, H).astype(jnp.float32)
    # dense_diff_pool
    s_sm = jax.nn.softmax(s, axis=-1)
    sT = jnp.transpose(s_sm, (0, 2, 1))
    out = jnp.matmul(sT, hx)
    out_adj = jnp.matmul(jnp.matmul(sT, adj), s_sm)
    link = adj - jnp.matmul(s_sm, sT)
    link_loss = jnp.sqrt(jnp.sum(link ** 2)) / adj.size
    ent_loss = jnp.mean(jnp.sum(-s_sm * jnp.log(s_sm + EPS), axis=-1))
    return (out, out_adj, link_loss, ent_loss, pos)

if __name__ == "__main__":
    import jax
    _d = setup_inputs()
    print(jax.jit(kernel)(*tuple(_d.values())))

</pallas_src>

<mosaic_0001>
#map = affine_map<(d0, d1) -> (0, 0)>
#map1 = affine_map<(d0, d1) -> (0, 0, 0)>
module attributes {stable_mosaic.version = 14 : i64} {
  func.func @_sc_build_a_body(%arg0: i32, %arg1: i32, %arg2: memref<2x544xi32, #tpu.memory_space<hbm>>, %arg3: memref<2x68x128xf32, #tpu.memory_space<hbm>>, %arg4: memref<1x16xi32, #tpu.memory_space<vmem>>, %arg5: memref<1x16xi32, #tpu.memory_space<vmem>>, %arg6: memref<16x128xf32, #tpu.memory_space<vmem>>, %arg7: memref<68x128xf32, #tpu.memory_space<vmem_shared>>) attributes {dimension_semantics = [#tpu.dimension_semantics<core_parallel>, #tpu.dimension_semantics<subcore_parallel>], iteration_bounds = array<i64: 2, 16>, scalar_prefetch = 0 : i64, scratch_operands = 4 : i64, tpu.core_type = #tpu.core_type<sc_vector_subcore>, window_params = [{transform_indices = #map}, {transform_indices = #map1}]} {
    %broadcast_in_dim3A = arith.constant 0.000000e+00 : f32
    %broadcast_in_dim3A_0 = vector.broadcast %broadcast_in_dim3A : f32 to vector<16xf32>
    %swap3A = arith.constant 0 : i32
    %swap3A_1 = arith.index_cast %swap3A : i32 to index
    %swap3A_2 = arith.constant 0 : index
    %swap3A_3 = tpu.vector_load %arg6[%swap3A_1, %swap3A_2] {strides = array<i32>} : memref<16x128xf32, #tpu.memory_space<vmem>>, vector<16xf32>,
    tpu.vector_store %arg6[%swap3A_1, %swap3A_2], %broadcast_in_dim3A_0 {strides = array<i32>} : memref<16x128xf32, #tpu.memory_space<vmem>>, vector<16xf32>,
    %swap3A_4 = arith.constant 0 : i32
    %swap3A_5 = arith.index_cast %swap3A_4 : i32 to index
    %swap3A_6 = arith.constant 16 : index
    %swap3A_7 = tpu.vector_load %arg6[%swap3A_5, %swap3A_6] {strides = array<i32>} : memref<16x128xf32, #tpu.memory_space<vmem>>, vector<16xf32>,
    tpu.vector_store %arg6[%swap3A_5, %swap3A_6], %broadcast_in_dim3A_0 {strides = array<i32>} : memref<16x128xf32, #tpu.memory_space<vmem>>, vector<16xf32>,
    %swap3A_8 = arith.constant 0 : i32
    %swap3A_9 = arith.index_cast %swap3A_8 : i32 to index
    %swap3A_10 = arith.constant 32 : index
    %swap3A_11 = tpu.vector_load %arg6[%swap3A_9, %swap3A_10] {strides = array<i32>} : memref<16x128xf32, #tpu.memory_space<vmem>>, vector<16xf32>,
    tpu.vector_store %arg6[%swap3A_9, %swap3A_10], %broadcast_in_dim3A_0 {strides = array<i32>} : memref<16x128xf32, #tpu.memory_space<vmem>>, vector<16xf32>,
    %swap3A_12 = arith.constant 0 : i32
    %swap3A_13 = arith.index_cast %swap3A_12 : i32 to index
    %swap3A_14 = arith.constant 48 : index
    %swap3A_15 = tpu.vector_load %arg6[%swap3A_13, %swap3A_14] {strides = array<i32>} : memref<16x128xf32, #tpu.memory_space<vmem>>, vector<16xf32>,
    tpu.vector_store %arg6[%swap3A_13, %swap3A_14], %broadcast_in_dim3A_0 {strides = array<i32>} : memref<16x128xf32, #tpu.memory_space<vmem>>, vector<16xf32>,
    %swap3A_16 = arith.constant 0 : i32
    %swap3A_17 = arith.index_cast %swap3A_16 : i32 to index
    %swap3A_18 = arith.constant 64 : index
    %swap3A_19 = tpu.vector_load %arg6[%swap3A_17, %swap3A_18] {strides = array<i32>} : memref<16x128xf32, #tpu.memory_space<vmem>>, vector<16xf32>,
    tpu.vector_store %arg6[%swap3A_17, %swap3A_18], %broadcast_in_dim3A_0 {strides = array<i32>} : memref<16x128xf32, #tpu.memory_space<vmem>>, vector<16xf32>,
    %swap3A_20 = arith.constant 0 : i32
    %swap3A_21 = arith.index_cast %swap3A_20 : i32 to index
    %swap3A_22 = arith.constant 80 : index
    %swap3A_23 = tpu.vector_load %arg6[%swap3A_21, %swap3A_22] {strides = array<i32>} : memref<16x128xf32, #tpu.memory_space<vmem>>, vector<16xf32>,
    tpu.vector_store %arg6[%swap3A_21, %swap3A_22], %broadcast_in_dim3A_0 {strides = array<i32>} : memref<16x128xf32, #tpu.memory_space<vmem>>, vector<16xf32>,
    %swap3A_24 = arith.constant 0 : i32
    %swap3A_25 = arith.index_cast %swap3A_24 : i32 to index
    %swap3A_26 = arith.constant 96 : index
    %swap3A_27 = tpu.vector_load %arg6[%swap3A_25, %swap3A_26] {strides = array<i32>} : memref<16x128xf32, #tpu.memory_space<vmem>>, vector<16xf32>,
    tpu.vector_store %arg6[%swap3A_25, %swap3A_26], %broadcast_in_dim3A_0 {strides = array<i32>} : memref<16x128xf32, #tpu.memory_space<vmem>>, vector<16xf32>,
    %swap3A_28 = arith.constant 0 : i32
    %swap3A_29 = arith.index_cast %swap3A_28 : i32 to index
    %swap3A_30 = arith.constant 112 : index
    %swap3A_31 = tpu.vector_load %arg6[%swap3A_29, %swap3A_30] {strides = array<i32>} : memref<16x128xf32, #tpu.memory_space<vmem>>, vector<16xf32>,
    tpu.vector_store %arg6[%swap3A_29, %swap3A_30], %broadcast_in_dim3A_0 {strides = array<i32>} : memref<16x128xf32, #tpu.memory_space<vmem>>, vector<16xf32>,
    %swap3A_32 = arith.constant 1 : i32
    %swap3A_33 = arith.index_cast %swap3A_32 : i32 to index
    %swap3A_34 = arith.constant 0 : index
    %swap3A_35 = tpu.vector_load %arg6[%swap3A_33, %swap3A_34] {strides = array<i32>} : memref<16x128xf32, #tpu.memory_space<vmem>>, vector<16xf32>,
    tpu.vector_store %arg6[%swap3A_33, %swap3A_34], %broadcast_in_dim3A_0 {strides = array<i32>} : memref<16x128xf32, #tpu.memory_space<vmem>>, vector<16xf32>,
    %swap3A_36 = arith.constant 1 : i32
    %swap3A_37 = arith.index_cast %swap3A_36 : i32 to index
    %swap3A_38 = arith.constant 16 : index
    %swap3A_39 = tpu.vector_load %arg6[%swap3A_37, %swap3A_38] {strides = array<i32>} : memref<16x128xf32, #tpu.memory_space<vmem>>, vector<16xf32>,
    tpu.vector_store %arg6[%swap3A_37, %swap3A_38], %broadcast_in_dim3A_0 {strides = array<i32>} : memref<16x128xf32, #tpu.memory_space<vmem>>, vector<16xf32>,
    %swap3A_40 = arith.constant 1 : i32
    %swap3A_41 = arith.index_cast %swap3A_40 : i32 to index
    %swap3A_42 = arith.constant 32 : index
    %swap3A_43 = tpu.vector_load %arg6[%swap3A_41, %swap3A_42] {strides = array<i32>} : memref<16x128xf32, #tpu.memory_space<vmem>>, vector<16xf32>,
    tpu.vector_store %arg6[%swap3A_41, %swap3A_42], %broadcast_in_dim3A_0 {strides = array<i32>} : memref<16x128xf32, #tpu.memory_space<vmem>>, vector<16xf32>,
    %swap3A_44 = arith.constant 1 : i32
    %swap3A_45 = arith.index_cast %swap3A_44 : i32 to index
    %swap3A_46 = arith.constant 48 : index
    %swap3A_47 = tpu.vector_load %arg6[%swap3A_45, %swap3A_46] {strides = array<i32>} : memref<16x128xf32, #tpu.memory_space<vmem>>, vector<16xf32>,
    tpu.vector_store %arg6[%swap3A_45, %swap3A_46], %broadcast_in_dim3A_0 {strides = array<i32>} : memref<16x128xf32, #tpu.memory_space<vmem>>, vector<16xf32>,
    %swap3A_48 = arith.constant 1 : i32
    %swap3A_49 = arith.index_cast %swap3A_48 : i32 to index
    %swap3A_50 = arith.constant 64 : index
    %swap3A_51 = tpu.vector_load %arg6[%swap3A_49, %swap3A_50] {strides = array<i32>} : memref<16x128xf32, #tpu.memory_space<vmem>>, vector<16xf32>,
    tpu.vector_store %arg6[%swap3A_49, %swap3A_50], %broadcast_in_dim3A_0 {strides = array<i32>} : memref<16x128xf32, #tpu.memory_space<vmem>>, vector<16xf32>,
    %swap3A_52 = arith.constant 1 : i32
    %swap3A_53 = arith.index_cast %swap3A_52 : i32 to index
    %swap3A_54 = arith.constant 80 : index
    %swap3A_55 = tpu.vector_load %arg6[%swap3A_53, %swap3A_54] {strides = array<i32>} : memref<16x128xf32, #tpu.memory_space<vmem>>, vector<16xf32>,
    tpu.vector_store %arg6[%swap3A_53, %swap3A_54], %broadcast_in_dim3A_0 {strides = array<i32>} : memref<16x128xf32, #tpu.memory_space<vmem>>, vector<16xf32>,
    %swap3A_56 = arith.constant 1 : i32
    %swap3A_57 = arith.index_cast %swap3A_56 : i32 to index
    %swap3A_58 = arith.constant 96 : index
    %swap3A_59 = tpu.vector_load %arg6[%swap3A_57, %swap3A_58] {strides = array<i32>} : memref<16x128xf32, #tpu.memory_space<vmem>>, vector<16xf32>,
    tpu.vector_store %arg6[%swap3A_57, %swap3A_58], %broadcast_in_dim3A_0 {strides = array<i32>} : memref<16x128xf32, #tpu.memory_space<vmem>>, vector<16xf32>,
    %swap3A_60 = arith.constant 1 : i32
    %swap3A_61 = arith.index_cast %swap3A_60 : i32 to index
    %swap3A_62 = arith.constant 112 : index
    %swap3A_63 = tpu.vector_load %arg6[%swap3A_61, %swap3A_62] {strides = array<i32>} : memref<16x128xf32, #tpu.memory_space<vmem>>, vector<16xf32>,
    tpu.vector_store %arg6[%swap3A_61, %swap3A_62], %broadcast_in_dim3A_0 {strides = array<i32>} : memref<16x128xf32, #tpu.memory_space<vmem>>, vector<16xf32>,
    %swap3A_64 = arith.constant 2 : i32
    %swap3A_65 = arith.index_cast %swap3A_64 : i32 to index
    %swap3A_66 = arith.constant 0 : index
    %swap3A_67 = tpu.vector_load %arg6[%swap3A_65, %swap3A_66] {strides = array<i32>} : memref<16x128xf32, #tpu.memory_space<vmem>>, vector<16xf32>,
    tpu.vector_store %arg6[%swap3A_65, %swap3A_66], %broadcast_in_dim3A_0 {strides = array<i32>} : memref<16x128xf32, #tpu.memory_space<vmem>>, vector<16xf32>,
    %swap3A_68 = arith.constant 2 : i32
    %swap3A_69 = arith.index_cast %swap3A_68 : i32 to index
    %swap3A_70 = arith.constant 16 : index
    %swap3A_71 = tpu.vector_load %arg6[%swap3A_69, %swap3A_70] {strides = array<i32>} : memref<16x128xf32, #tpu.memory_space<vmem>>, vector<16xf32>,
    tpu.vector_store %arg6[%swap3A_69, %swap3A_70], %broadcast_in_dim3A_0 {strides = array<i32>} : memref<16x128xf32, #tpu.memory_space<vmem>>, vector<16xf32>,
    %swap3A_72 = arith.constant 2 : i32
    %swap3A_73 = arith.index_cast %swap3A_72 : i32 to index
    %swap3A_74 = arith.constant 32 : index
    %swap3A_75 = tpu.vector_load %arg6[%swap3A_73, %swap3A_74] {strides = array<i32>} : memref<16x128xf32, #tpu.memory_space<vmem>>, vector<16xf32>,
    tpu.vector_store %arg6[%swap3A_73, %swap3A_74], %broadcast_in_dim3A_0 {strides = array<i32>} : memref<16x128xf32, #tpu.memory_space<vmem>>, vector<16xf32>,
    %swap3A_76 = arith.constant 2 : i32
    %swap3A_77 = arith.index_cast %swap3A_76 : i32 to index
    %swap3A_78 = arith.constant 48 : index
    %swap3A_79 = tpu.vector_load %arg6[%swap3A_77, %swap3A_78] {strides = array<i32>} : memref<16x128xf32, #tpu.memory_space<vmem>>, vector<16xf32>,
    tpu.vector_store %arg6[%swap3A_77, %swap3A_78], %broadcast_in_dim3A_0 {strides = array<i32>} : memref<16x128xf32, #tpu.memory_space<vmem>>, vector<16xf32>,
    %swap3A_80 = arith.constant 2 : i32
    %swap3A_81 = arith.index_cast %swap3A_80 : i32 to index
    %swap3A_82 = arith.constant 64 : index
    %swap3A_83 = tpu.vector_load %arg6[%swap3A_81, %swap3A_82] {strides = array<i32>} : memref<16x128xf32, #tpu.memory_space<vmem>>, vector<16xf32>,
    tpu.vector_store %arg6[%swap3A_81, %swap3A_82], %broadcast_in_dim3A_0 {strides = array<i32>} : memref<16x128xf32, #tpu.memory_space<vmem>>, vector<16xf32>,
    %swap3A_84 = arith.constant 2 : i32
    %swap3A_85 = arith.index_cast %swap3A_84 : i32 to index
    %swap3A_86 = arith.constant 80 : index
    %swap3A_87 = tpu.vector_load %arg6[%swap3A_85, %swap3A_86] {strides = array<i32>} : memref<16x128xf32, #tpu.memory_space<vmem>>, vector<16xf32>,
    tpu.vector_store %arg6[%swap3A_85, %swap3A_86], %broadcast_in_dim3A_0 {strides = array<i32>} : memref<16x128xf32, #tpu.memory_space<vmem>>, vector<16xf32>,
    %swap3A_88 = arith.constant 2 : i32
    %swap3A_89 = arith.index_cast %swap3A_88 : i32 to index
    %swap3A_90 = arith.constant 96 : index
    %swap3A_91 = tpu.vector_load %arg6[%swap3A_89, %swap3A_90] {strides = array<i32>} : memref<16x128xf32, #tpu.memory_space<vmem>>, vector<16xf32>,
    tpu.vector_store %arg6[%swap3A_89, %swap3A_90], %broadcast_in_dim3A_0 {strides = array<i32>} : memref<16x128xf32, #tpu.memory_space<vmem>>, vector<16xf32>,
    %swap3A_92 = arith.constant 2 : i32
    %swap3A_93 = arith.index_cast %swap3A_92 : i32 to index
    %swap3A_94 = arith.constant 112 : index
    %swap3A_95 = tpu.vector_load %arg6[%swap3A_93, %swap3A_94] {strides = array<i32>} : memref<16x128xf32, #tpu.memory_space<vmem>>, vector<16xf32>,
    tpu.vector_store %arg6[%swap3A_93, %swap3A_94], %broadcast_in_dim3A_0 {strides = array<i32>} : memref<16x128xf32, #tpu.memory_space<vmem>>, vector<16xf32>,
    %swap3A_96 = arith.constant 3 : i32
    %swap3A_97 = arith.index_cast %swap3A_96 : i32 to index
    %swap3A_98 = arith.constant 0 : index
    %swap3A_99 = tpu.vector_load %arg6[%swap3A_97, %swap3A_98] {strides = array<i32>} : memref<16x128xf32, #tpu.memory_space<vmem>>, vector<16xf32>,
    tpu.vector_store %arg6[%swap3A_97, %swap3A_98], %broadcast_in_dim3A_0 {strides = array<i32>} : memref<16x128xf32, #tpu.memory_space<vmem>>, vector<16xf32>,
    %swap3A_100 = arith.constant 3 : i32
    %swap3A_101 = arith.index_cast %swap3A_100 : i32 to index
    %swap3A_102 = arith.constant 16 : index
    %swap3A_103 = tpu.vector_load %arg6[%swap3A_101, %swap3A_102] {strides = array<i32>} : memref<16x128xf32, #tpu.memory_space<vmem>>, vector<16xf32>,
    tpu.vector_store %arg6[%swap3A_101, %swap3A_102], %broadcast_in_dim3A_0 {strides = array<i32>} : memref<16x128xf32, #tpu.memory_space<vmem>>, vector<16xf32>,
    %swap3A_104 = arith.constant 3 : i32
    %swap3A_105 = arith.index_cast %swap3A_104 : i32 to index
    %swap3A_106 = arith.constant 32 : index
    %swap3A_107 = tpu.vector_load %arg6[%swap3A_105, %swap3A_106] {strides = array<i32>} : memref<16x128xf32, #tpu.memory_space<vmem>>, vector<16xf32>,
    tpu.vector_store %arg6[%swap3A_105, %swap3A_106], %broadcast_in_dim3A_0 {strides = array<i32>} : memref<16x128xf32, #tpu.memory_space<vmem>>, vector<16xf32>,
    %swap3A_108 = arith.constant 3 : i32
    %swap3A_109 = arith.index_cast %swap3A_108 : i32 to index
    %swap3A_110 = arith.constant 48 : index
    %swap3A_111 = tpu.vector_load %arg6[%swap3A_109, %swap3A_110] {strides = array<i32>} : memref<16x128xf32, #tpu.memory_space<vmem>>, vector<16xf32>,
    tpu.vector_store %arg6[%swap3A_109, %swap3A_110], %broadcast_in_dim3A_0 {strides = array<i32>} : memref<16x128xf32, #tpu.memory_space<vmem>>, vector<16xf32>,
    %swap3A_112 = arith.constant 3 : i32
    %swap3A_113 = arith.index_cast %swap3A_112 : i32 to index
    %swap3A_114 = arith.constant 64 : index
    %swap3A_115 = tpu.vector_load %arg6[%swap3A_113, %swap3A_114] {strides = array<i32>} : memref<16x128xf32, #tpu.memory_space<vmem>>, vector<16xf32>,
    tpu.vector_store %arg6[%swap3A_113, %swap3A_114], %broadcast_in_dim3A_0 {strides = array<i32>} : memref<16x128xf32, #tpu.memory_space<vmem>>, vector<16xf32>,
    %swap3A_116 = arith.constant 3 : i32
    %swap3A_117 = arith.index_cast %swap3A_116 : i32 to index
    %swap3A_118 = arith.constant 80 : index
    %swap3A_119 = tpu.vector_load %arg6[%swap3A_117, %swap3A_118] {strides = array<i32>} : memref<16x128xf32, #tpu.memory_space<vmem>>, vector<16xf32>,
    tpu.vector_store %arg6[%swap3A_117, %swap3A_118], %broadcast_in_dim3A_0 {strides = array<i32>} : memref<16x128xf32, #tpu.memory_space<vmem>>, vector<16xf32>,
    %swap3A_120 = arith.constant 3 : i32
    %swap3A_121 = arith.index_cast %swap3A_120 : i32 to index
    %swap3A_122 = arith.constant 96 : index
    %swap3A_123 = tpu.vector_load %arg6[%swap3A_121, %swap3A_122] {strides = array<i32>} : memref<16x128xf32, #tpu.memory_space<vmem>>, vector<16xf32>,
    tpu.vector_store %arg6[%swap3A_121, %swap3A_122], %broadcast_in_dim3A_0 {strides = array<i32>} : memref<16x128xf32, #tpu.memory_space<vmem>>, vector<16xf32>,
    %swap3A_124 = arith.constant 3 : i32
    %swap3A_125 = arith.index_cast %swap3A_124 : i32 to index
    %swap3A_126 = arith.constant 112 : index
    %swap3A_127 = tpu.vector_load %arg6[%swap3A_125, %swap3A_126] {strides = array<i32>} : memref<16x128xf32, #tpu.memory_space<vmem>>, vector<16xf32>,
    tpu.vector_store %arg6[%swap3A_125, %swap3A_126], %broadcast_in_dim3A_0 {strides = array<i32>} : memref<16x128xf32, #tpu.memory_space<vmem>>, vector<16xf32>,
    %swap3A_128 = arith.constant 4 : i32
    %swap3A_129 = arith.index_cast %swap3A_128 : i32 to index
    %swap3A_130 = arith.constant 0 : index
    %swap3A_131 = tpu.vector_load %arg6[%swap3A_129, %swap3A_130] {strides = array<i32>} : memref<16x128xf32, #tpu.memory_space<vmem>>, vector<16xf32>,
    tpu.vector_store %arg6[%swap3A_129, %swap3A_130], %broadcast_in_dim3A_0 {strides = array<i32>} : memref<16x128xf32, #tpu.memory_space<vmem>>, vector<16xf32>,
    %swap3A_132 = arith.constant 4 : i32
    %swap3A_133 = arith.index_cast %swap3A_132 : i32 to index
    %swap3A_134 = arith.constant 16 : index
    %swap3A_135 = tpu.vector_load %arg6[%swap3A_133, %swap3A_134] {strides = array<i32>} : memref<16x128xf32, #tpu.memory_space<vmem>>, vector<16xf32>,
    tpu.vector_store %arg6[%swap3A_133, %swap3A_134], %broadcast_in_dim3A_0 {strides = array<i32>} : memref<16x128xf32, #tpu.memory_space<vmem>>, vector<16xf32>,
    %swap3A_136 = arith.constant 4 : i32
    %swap3A_137 = arith.index_cast %swap3A_136 : i32 to index
    %swap3A_138 = arith.constant 32 : index
    %swap3A_139 = tpu.vector_load %arg6[%swap3A_137, %swap3A_138] {strides = array<i32>} : memref<16x128xf32, #tpu.memory_space<vmem>>, vector<16xf32>,
    tpu.vector_store %arg6[%swap3A_137, %swap3A_138], %broadcast_in_dim3A_0 {strides = array<i32>} : memref<16x128xf32, #tpu.memory_space<vmem>>, vector<16xf32>,
    %swap3A_140 = arith.constant 4 : i32
    %swap3A_141 = arith.index_cast %swap3A_140 : i32 to index
    %swap3A_142 = arith.constant 48 : index
    %swap3A_143 = tpu.vector_load %arg6[%swap3A_141, %swap3A_142] {strides = array<i32>} : memref<16x128xf32, #tpu.memory_space<vmem>>, vector<16xf32>,
    tpu.vector_store %arg6[%swap3A_141, %swap3A_142], %broadcast_in_dim3A_0 {strides = array<i32>} : memref<16x128xf32, #tpu.memory_space<vmem>>, vector<16xf32>,
    %swap3A_144 = arith.constant 4 : i32
    %swap3A_145 = arith.index_cast %swap3A_144 : i32 to index
    %swap3A_146 = arith.constant 64 : index
    %swap3A_147 = tpu.vector_load %arg6[%swap3A_145, %swap3A_146] {strides = array<i32>} : memref<16x128xf32, #tpu.memory_space<vmem>>, vector<16xf32>,
    tpu.vector_store %arg6[%swap3A_145, %swap3A_146], %broadcast_in_dim3A_0 {strides = array<i32>} : memref<16x128xf32, #tpu.memory_space<vmem>>, vector<16xf32>,
    %swap3A_148 = arith.constant 4 : i32
    %swap3A_149 = arith.index_cast %swap3A_148 : i32 to index
    %swap3A_150 = arith.constant 80 : index
    %swap3A_151 = tpu.vector_load %arg6[%swap3A_149, %swap3A_150] {strides = array<i32>} : memref<16x128xf32, #tpu.memory_space<vmem>>, vector<16xf32>,
    tpu.vector_store %arg6[%swap3A_149, %swap3A_150], %broadcast_in_dim3A_0 {strides = array<i32>} : memref<16x128xf32, #tpu.memory_space<vmem>>, vector<16xf32>,
    %swap3A_152 = arith.constant 4 : i32
    %swap3A_153 = arith.index_cast %swap3A_152 : i32 to index
    %swap3A_154 = arith.constant 96 : index
    %swap3A_155 = tpu.vector_load %arg6[%swap3A_153, %swap3A_154] {strides = array<i32>} : memref<16x128xf32, #tpu.memory_space<vmem>>, vector<16xf32>,
    tpu.vector_store %arg6[%swap3A_153, %swap3A_154], %broadcast_in_dim3A_0 {strides = array<i32>} : memref<16x128xf32, #tpu.memory_space<vmem>>, vector<16xf32>,
    %swap3A_156 = arith.constant 4 : i32
    %swap3A_157 = arith.index_cast %swap3A_156 : i32 to index
    %swap3A_158 = arith.constant 112 : index
    %swap3A_159 = tpu.vector_load %arg6[%swap3A_157, %swap3A_158] {strides = array<i32>} : memref<16x128xf32, #tpu.memory_space<vmem>>, vector<16xf32>,
    tpu.vector_store %arg6[%swap3A_157, %swap3A_158], %broadcast_in_dim3A_0 {strides = array<i32>} : memref<16x128xf32, #tpu.memory_space<vmem>>, vector<16xf32>,
    %swap3A_160 = arith.constant 5 : i32
    %swap3A_161 = arith.index_cast %swap3A_160 : i32 to index
    %swap3A_162 = arith.constant 0 : index
    %swap3A_163 = tpu.vector_load %arg6[%swap3A_161, %swap3A_162] {strides = array<i32>} : memref<16x128xf32, #tpu.memory_space<vmem>>, vector<16xf32>,
    tpu.vector_store %arg6[%swap3A_161, %swap3A_162], %broadcast_in_dim3A_0 {strides = array<i32>} : memref<16x128xf32, #tpu.memory_space<vmem>>, vector<16xf32>,
    %swap3A_164 = arith.constant 5 : i32
    %swap3A_165 = arith.index_cast %swap3A_164 : i32 to index
    %swap3A_166 = arith.constant 16 : index
    %swap3A_167 = tpu.vector_load %arg6[%swap3A_165, %swap3A_166] {strides = array<i32>} : memref<16x128xf32, #tpu.memory_space<vmem>>, vector<16xf32>,
    tpu.vector_store %arg6[%swap3A_165, %swap3A_166], %broadcast_in_dim3A_0 {strides = array<i32>} : memref<16x128xf32, #tpu.memory_space<vmem>>, vector<16xf32>,
    %swap3A_168 = arith.constant 5 : i32
    %swap3A_169 = arith.index_cast %swap3A_168 : i32 to index
    %swap3A_170 = arith.constant 32 : index
    %swap3A_171 = tpu.vector_load %arg6[%swap3A_169, %swap3A_170] {strides = array<i32>} : memref<16x128xf32, #tpu.memory_space<vmem>>, vector<16xf32>,
    tpu.vector_store %arg6[%swap3A_169, %swap3A_170], %broadcast_in_dim3A_0 {strides = array<i32>} : memref<16x128xf32, #tpu.memory_space<vmem>>, vector<16xf32>,
    %swap3A_172 = arith.constant 5 : i32
    %swap3A_173 = arith.index_cast %swap3A_172 : i32 to index
    %swap3A_174 = arith.constant 48 : index
    %swap3A_175 = tpu.vector_load %arg6[%swap3A_173, %swap3A_174] {strides = array<i32>} : memref<16x128xf32, #tpu.memory_space<vmem>>, vector<16xf32>,
    tpu.vector_store %arg6[%swap3A_173, %swap3A_174], %broadcast_in_dim3A_0 {strides = array<i32>} : memref<16x128xf32, #tpu.memory_space<vmem>>, vector<16xf32>,
    %swap3A_176 = arith.constant 5 : i32
    %swap3A_177 = arith.index_cast %swap3A_176 : i32 to index
    %swap3A_178 = arith.constant 64 : index
    %swap3A_179 = tpu.vector_load %arg6[%swap3A_177, %swap3A_178] {strides = array<i32>} : memref<16x128xf32, #tpu.memory_space<vmem>>, vector<16xf32>,
    tpu.vector_store %arg6[%swap3A_177, %swap3A_178], %broadcast_in_dim3A_0 {strides = array<i32>} : memref<16x128xf32, #tpu.memory_space<vmem>>, vector<16xf32>,
    %swap3A_180 = arith.constant 5 : i32
    %swap3A_181 = arith.index_cast %swap3A_180 : i32 to index
    %swap3A_182 = arith.constant 80 : index
    %swap3A_183 = tpu.vector_load %arg6[%swap3A_181, %swap3A_182] {strides = array<i32>} : memref<16x128xf32, #tpu.memory_space<vmem>>, vector<16xf32>,
    tpu.vector_store %arg6[%swap3A_181, %swap3A_182], %broadcast_in_dim3A_0 {strides = array<i32>} : memref<16x128xf32, #tpu.memory_space<vmem>>, vector<16xf32>,
    %swap3A_184 = arith.constant 5 : i32
    %swap3A_185 = arith.index_cast %swap3A_184 : i32 to index
    %swap3A_186 = arith.constant 96 : index
    %swap3A_187 = tpu.vector_load %arg6[%swap3A_185, %swap3A_186] {strides = array<i32>} : memref<16x128xf32, #tpu.memory_space<vmem>>, vector<16xf32>,
    tpu.vector_store %arg6[%swap3A_185, %swap3A_186], %broadcast_in_dim3A_0 {strides = array<i32>} : memref<16x128xf32, #tpu.memory_space<vmem>>, vector<16xf32>,
    %swap3A_188 = arith.constant 5 : i32
    %swap3A_189 = arith.index_cast %swap3A_188 : i32 to index
    %swap3A_190 = arith.constant 112 : index
    %swap3A_191 = tpu.vector_load %arg6[%swap3A_189, %swap3A_190] {strides = array<i32>} : memref<16x128xf32, #tpu.memory_space<vmem>>, vector<16xf32>,
    tpu.vector_store %arg6[%swap3A_189, %swap3A_190], %broadcast_in_dim3A_0 {strides = array<i32>} : memref<16x128xf32, #tpu.memory_space<vmem>>, vector<16xf32>,
    %swap3A_192 = arith.constant 6 : i32
    %swap3A_193 = arith.index_cast %swap3A_192 : i32 to index
    %swap3A_194 = arith.constant 0 : index
    %swap3A_195 = tpu.vector_load %arg6[%swap3A_193, %swap3A_194] {strides = array<i32>} : memref<16x128xf32, #tpu.memory_space<vmem>>, vector<16xf32>,
    tpu.vector_store %arg6[%swap3A_193, %swap3A_194], %broadcast_in_dim3A_0 {strides = array<i32>} : memref<16x128xf32, #tpu.memory_space<vmem>>, vector<16xf32>,
    %swap3A_196 = arith.constant 6 : i32
    %swap3A_197 = arith.index_cast %swap3A_196 : i32 to index
    %swap3A_198 = arith.constant 16 : index
    %swap3A_199 = tpu.vector_load %arg6[%swap3A_197, %swap3A_198] {strides = array<i32>} : memref<16x128xf32, #tpu.memory_space<vmem>>, vector<16xf32>,
    tpu.vector_store %arg6[%swap3A_197, %swap3A_198], %broadcast_in_dim3A_0 {strides = array<i32>} : memref<16x128xf32, #tpu.memory_space<vmem>>, vector<16xf32>,
    %swap3A_200 = arith.constant 6 : i32
    %swap3A_201 = arith.index_cast %swap3A_200 : i32 to index
    %swap3A_202 = arith.constant 32 : index
    %swap3A_203 = tpu.vector_load %arg6[%swap3A_201, %swap3A_202] {strides = array<i32>} : memref<16x128xf32, #tpu.memory_space<vmem>>, vector<16xf32>,
    tpu.vector_store %arg6[%swap3A_201, %swap3A_202], %broadcast_in_dim3A_0 {strides = array<i32>} : memref<16x128xf32, #tpu.memory_space<vmem>>, vector<16xf32>,
    %swap3A_204 = arith.constant 6 : i32
    %swap3A_205 = arith.index_cast %swap3A_204 : i32 to index
    %swap3A_206 = arith.constant 48 : index
    %swap3A_207 = tpu.vector_load %arg6[%swap3A_205, %swap3A_206] {strides = array<i32>} : memref<16x128xf32, #tpu.memory_space<vmem>>, vector<16xf32>,
    tpu.vector_store %arg6[%swap3A_205, %swap3A_206], %broadcast_in_dim3A_0 {strides = array<i32>} : memref<16x128xf32, #tpu.memory_space<vmem>>, vector<16xf32>,
    %swap3A_208 = arith.constant 6 : i32
    %swap3A_209 = arith.index_cast %swap3A_208 : i32 to index
    %swap3A_210 = arith.constant 64 : index
    %swap3A_211 = tpu.vector_load %arg6[%swap3A_209, %swap3A_210] {strides = array<i32>} : memref<16x128xf32, #tpu.memory_space<vmem>>, vector<16xf32>,
    tpu.vector_store %arg6[%swap3A_209, %swap3A_210], %broadcast_in_dim3A_0 {strides = array<i32>} : memref<16x128xf32, #tpu.memory_space<vmem>>, vector<16xf32>,
    %swap3A_212 = arith.constant 6 : i32
    %swap3A_213 = arith.index_cast %swap3A_212 : i32 to index
    %swap3A_214 = arith.constant 80 : index
    %swap3A_215 = tpu.vector_load %arg6[%swap3A_213, %swap3A_214] {strides = array<i32>} : memref<16x128xf32, #tpu.memory_space<vmem>>, vector<16xf32>,
    tpu.vector_store %arg6[%swap3A_213, %swap3A_214], %broadcast_in_dim3A_0 {strides = array<i32>} : memref<16x128xf32, #tpu.memory_space<vmem>>, vector<16xf32>,
    %swap3A_216 = arith.constant 6 : i32
    %swap3A_217 = arith.index_cast %swap3A_216 : i32 to index
    %swap3A_218 = arith.constant 96 : index
    %swap3A_219 = tpu.vector_load %arg6[%swap3A_217, %swap3A_218] {strides = array<i32>} : memref<16x128xf32, #tpu.memory_space<vmem>>, vector<16xf32>,
    tpu.vector_store %arg6[%swap3A_217, %swap3A_218], %broadcast_in_dim3A_0 {strides = array<i32>} : memref<16x128xf32, #tpu.memory_space<vmem>>, vector<16xf32>,
    %swap3A_220 = arith.constant 6 : i32
    %swap3A_221 = arith.index_cast %swap3A_220 : i32 to index
    %swap3A_222 = arith.constant 112 : index
    %swap3A_223 = tpu.vector_load %arg6[%swap3A_221, %swap3A_222] {strides = array<i32>} : memref<16x128xf32, #tpu.memory_space<vmem>>, vector<16xf32>,
    tpu.vector_store %arg6[%swap3A_221, %swap3A_222], %broadcast_in_dim3A_0 {strides = array<i32>} : memref<16x128xf32, #tpu.memory_space<vmem>>, vector<16xf32>,
    %swap3A_224 = arith.constant 7 : i32
    %swap3A_225 = arith.index_cast %swap3A_224 : i32 to index
    %swap3A_226 = arith.constant 0 : index
    %swap3A_227 = tpu.vector_load %arg6[%swap3A_225, %swap3A_226] {strides = array<i32>} : memref<16x128xf32, #tpu.memory_space<vmem>>, vector<16xf32>,
    tpu.vector_store %arg6[%swap3A_225, %swap3A_226], %broadcast_in_dim3A_0 {strides = array<i32>} : memref<16x128xf32, #tpu.memory_space<vmem>>, vector<16xf32>,
    %swap3A_228 = arith.constant 7 : i32
    %swap3A_229 = arith.index_cast %swap3A_228 : i32 to index
    %swap3A_230 = arith.constant 16 : index
    %swap3A_231 = tpu.vector_load %arg6[%swap3A_229, %swap3A_230] {strides = array<i32>} : memref<16x128xf32, #tpu.memory_space<vmem>>, vector<16xf32>,
    tpu.vector_store %arg6[%swap3A_229, %swap3A_230], %broadcast_in_dim3A_0 {strides = array<i32>} : memref<16x128xf32, #tpu.memory_space<vmem>>, vector<16xf32>,
    %swap3A_232 = arith.constant 7 : i32
    %swap3A_233 = arith.index_cast %swap3A_232 : i32 to index
    %swap3A_234 = arith.constant 32 : index
    %swap3A_235 = tpu.vector_load %arg6[%swap3A_233, %swap3A_234] {strides = array<i32>} : memref<16x128xf32, #tpu.memory_space<vmem>>, vector<16xf32>,
    tpu.vector_store %arg6[%swap3A_233, %swap3A_234], %broadcast_in_dim3A_0 {strides = array<i32>} : memref<16x128xf32, #tpu.memory_space<vmem>>, vector<16xf32>,
    %swap3A_236 = arith.constant 7 : i32
    %swap3A_237 = arith.index_cast %swap3A_236 : i32 to index
    %swap3A_238 = arith.constant 48 : index
    %swap3A_239 = tpu.vector_load %arg6[%swap3A_237, %swap3A_238] {strides = array<i32>} : memref<16x128xf32, #tpu.memory_space<vmem>>, vector<16xf32>,
    tpu.vector_store %arg6[%swap3A_237, %swap3A_238], %broadcast_in_dim3A_0 {strides = array<i32>} : memref<16x128xf32, #tpu.memory_space<vmem>>, vector<16xf32>,
    %swap3A_240 = arith.constant 7 : i32
    %swap3A_241 = arith.index_cast %swap3A_240 : i32 to index
    %swap3A_242 = arith.constant 64 : index
    %swap3A_243 = tpu.vector_load %arg6[%swap3A_241, %swap3A_242] {strides = array<i32>} : memref<16x128xf32, #tpu.memory_space<vmem>>, vector<16xf32>,
    tpu.vector_store %arg6[%swap3A_241, %swap3A_242], %broadcast_in_dim3A_0 {strides = array<i32>} : memref<16x128xf32, #tpu.memory_space<vmem>>, vector<16xf32>,
    %swap3A_244 = arith.constant 7 : i32
    %swap3A_245 = arith.index_cast %swap3A_244 : i32 to index
    %swap3A_246 = arith.constant 80 : index
    %swap3A_247 = tpu.vector_load %arg6[%swap3A_245, %swap3A_246] {strides = array<i32>} : memref<16x128xf32, #tpu.memory_space<vmem>>, vector<16xf32>,
    tpu.vector_store %arg6[%swap3A_245, %swap3A_246], %broadcast_in_dim3A_0 {strides = array<i32>} : memref<16x128xf32, #tpu.memory_space<vmem>>, vector<16xf32>,
    %swap3A_248 = arith.constant 7 : i32
    %swap3A_249 = arith.index_cast %swap3A_248 : i32 to index
    %swap3A_250 = arith.constant 96 : index
    %swap3A_251 = tpu.vector_load %arg6[%swap3A_249, %swap3A_250] {strides = array<i32>} : memref<16x128xf32, #tpu.memory_space<vmem>>, vector<16xf32>,
    tpu.vector_store %arg6[%swap3A_249, %swap3A_250], %broadcast_in_dim3A_0 {strides = array<i32>} : memref<16x128xf32, #tpu.memory_space<vmem>>, vector<16xf32>,
    %swap3A_252 = arith.constant 7 : i32
    %swap3A_253 = arith.index_cast %swap3A_252 : i32 to index
    %swap3A_254 = arith.constant 112 : index
    %swap3A_255 = tpu.vector_load %arg6[%swap3A_253, %swap3A_254] {strides = array<i32>} : memref<16x128xf32, #tpu.memory_space<vmem>>, vector<16xf32>,
    tpu.vector_store %arg6[%swap3A_253, %swap3A_254], %broadcast_in_dim3A_0 {strides = array<i32>} : memref<16x128xf32, #tpu.memory_space<vmem>>, vector<16xf32>,
    %swap3A_256 = arith.constant 8 : i32
    %swap3A_257 = arith.index_cast %swap3A_256 : i32 to index
    %swap3A_258 = arith.constant 0 : index
    %swap3A_259 = tpu.vector_load %arg6[%swap3A_257, %swap3A_258] {strides = array<i32>} : memref<16x128xf32, #tpu.memory_space<vmem>>, vector<16xf32>,
    tpu.vector_store %arg6[%swap3A_257, %swap3A_258], %broadcast_in_dim3A_0 {strides = array<i32>} : memref<16x128xf32, #tpu.memory_space<vmem>>, vector<16xf32>,
    %swap3A_260 = arith.constant 8 : i32
    %swap3A_261 = arith.index_cast %swap3A_260 : i32 to index
    %swap3A_262 = arith.constant 16 : index
    %swap3A_263 = tpu.vector_load %arg6[%swap3A_261, %swap3A_262] {strides = array<i32>} : memref<16x128xf32, #tpu.memory_space<vmem>>, vector<16xf32>,
    tpu.vector_store %arg6[%swap3A_261, %swap3A_262], %broadcast_in_dim3A_0 {strides = array<i32>} : memref<16x128xf32, #tpu.memory_space<vmem>>, vector<16xf32>,
    %swap3A_264 = arith.constant 8 : i32
    %swap3A_265 = arith.index_cast %swap3A_264 : i32 to index
    %swap3A_266 = arith.constant 32 : index
    %swap3A_267 = tpu.vector_load %arg6[%swap3A_265, %swap3A_266] {strides = array<i32>} : memref<16x128xf32, #tpu.memory_space<vmem>>, vector<16xf32>,
    tpu.vector_store %arg6[%swap3A_265, %swap3A_266], %broadcast_in_dim3A_0 {strides = array<i32>} : memref<16x128xf32, #tpu.memory_space<vmem>>, vector<16xf32>,
    %swap3A_268 = arith.constant 8 : i32
    %swap3A_269 = arith.index_cast %swap3A_268 : i32 to index
    %swap3A_270 = arith.constant 48 : index
    %swap3A_271 = tpu.vector_load %arg6[%swap3A_269, %swap3A_270] {strides = array<i32>} : memref<16x128xf32, #tpu.memory_space<vmem>>, vector<16xf32>,
    tpu.vector_store %arg6[%swap3A_269, %swap3A_270], %broadcast_in_dim3A_0 {strides = array<i32>} : memref<16x128xf32, #tpu.memory_space<vmem>>, vector<16xf32>,
    %swap3A_272 = arith.constant 8 : i32
    %swap3A_273 = arith.index_cast %swap3A_272 : i32 to index
    %swap3A_274 = arith.constant 64 : index
    %swap3A_275 = tpu.vector_load %arg6[%swap3A_273, %swap3A_274] {strides = array<i32>} : memref<16x128xf32, #tpu.memory_space<vmem>>, vector<16xf32>,
    tpu.vector_store %arg6[%swap3A_273, %swap3A_274], %broadcast_in_dim3A_0 {strides = array<i32>} : memref<16x128xf32, #tpu.memory_space<vmem>>, vector<16xf32>,
    %swap3A_276 = arith.constant 8 : i32
    %swap3A_277 = arith.index_cast %swap3A_276 : i32 to index
    %swap3A_278 = arith.constant 80 : index
    %swap3A_279 = tpu.vector_load %arg6[%swap3A_277, %swap3A_278] {strides = array<i32>} : memref<16x128xf32, #tpu.memory_space<vmem>>, vector<16xf32>,
    tpu.vector_store %arg6[%swap3A_277, %swap3A_278], %broadcast_in_dim3A_0 {strides = array<i32>} : memref<16x128xf32, #tpu.memory_space<vmem>>, vector<16xf32>,
    %swap3A_280 = arith.constant 8 : i32
    %swap3A_281 = arith.index_cast %swap3A_280 : i32 to index
    %swap3A_282 = arith.constant 96 : index
    %swap3A_283 = tpu.vector_load %arg6[%swap3A_281, %swap3A_282] {strides = array<i32>} : memref<16x128xf32, #tpu.memory_space<vmem>>, vector<16xf32>,
    tpu.vector_store %arg6[%swap3A_281, %swap3A_282], %broadcast_in_dim3A_0 {strides = array<i32>} : memref<16x128xf32, #tpu.memory_space<vmem>>, vector<16xf32>,
    %swap3A_284 = arith.constant 8 : i32
    %swap3A_285 = arith.index_cast %swap3A_284 : i32 to index
    %swap3A_286 = arith.constant 112 : index
    %swap3A_287 = tpu.vector_load %arg6[%swap3A_285, %swap3A_286] {strides = array<i32>} : memref<16x128xf32, #tpu.memory_space<vmem>>, vector<16xf32>,
    tpu.vector_store %arg6[%swap3A_285, %swap3A_286], %broadcast_in_dim3A_0 {strides = array<i32>} : memref<16x128xf32, #tpu.memory_space<vmem>>, vector<16xf32>,
    %swap3A_288 = arith.constant 9 : i32
    %swap3A_289 = arith.index_cast %swap3A_288 : i32 to index
    %swap3A_290 = arith.constant 0 : index
    %swap3A_291 = tpu.vector_load %arg6[%swap3A_289, %swap3A_290] {strides = array<i32>} : memref<16x128xf32, #tpu.memory_space<vmem>>, vector<16xf32>,
    tpu.vector_store %arg6[%swap3A_289, %swap3A_290], %broadcast_in_dim3A_0 {strides = array<i32>} : memref<16x128xf32, #tpu.memory_space<vmem>>, vector<16xf32>,
    %swap3A_292 = arith.constant 9 : i32
    %swap3A_293 = arith.index_cast %swap3A_292 : i32 to index
    %swap3A_294 = arith.constant 16 : index
    %swap3A_295 = tpu.vector_load %arg6[%swap3A_293, %swap3A_294] {strides = array<i32>} : memref<16x128xf32, #tpu.memory_space<vmem>>, vector<16xf32>,
    tpu.vector_store %arg6[%swap3A_293, %swap3A_294], %broadcast_in_dim3A_0 {strides = array<i32>} : memref<16x128xf32, #tpu.memory_space<vmem>>, vector<16xf32>,
    %swap3A_296 = arith.constant 9 : i32
    %swap3A_297 = arith.index_cast %swap3A_296 : i32 to index
    %swap3A_298 = arith.constant 32 : index
    %swap3A_299 = tpu.vector_load %arg6[%swap3A_297, %swap3A_298] {strides = array<i32>} : memref<16x128xf32, #tpu.memory_space<vmem>>, vector<16xf32>,
    tpu.vector_store %arg6[%swap3A_297, %swap3A_298], %broadcast_in_dim3A_0 {strides = array<i32>} : memref<16x128xf32, #tpu.memory_space<vmem>>, vector<16xf32>,
    %swap3A_300 = arith.constant 9 : i32
    %swap3A_301 = arith.index_cast %swap3A_300 : i32 to index
    %swap3A_302 = arith.constant 48 : index
    %swap3A_303 = tpu.vector_load %arg6[%swap3A_301, %swap3A_302] {strides = array<i32>} : memref<16x128xf32, #tpu.memory_space<vmem>>, vector<16xf32>,
    tpu.vector_store %arg6[%swap3A_301, %swap3A_302], %broadcast_in_dim3A_0 {strides = array<i32>} : memref<16x128xf32, #tpu.memory_space<vmem>>, vector<16xf32>,
    %swap3A_304 = arith.constant 9 : i32
    %swap3A_305 = arith.index_cast %swap3A_304 : i32 to index
    %swap3A_306 = arith.constant 64 : index
    %swap3A_307 = tpu.vector_load %arg6[%swap3A_305, %swap3A_306] {strides = array<i32>} : memref<16x128xf32, #tpu.memory_space<vmem>>, vector<16xf32>,
    tpu.vector_store %arg6[%swap3A_305, %swap3A_306], %broadcast_in_dim3A_0 {strides = array<i32>} : memref<16x128xf32, #tpu.memory_space<vmem>>, vector<16xf32>,
    %swap3A_308 = arith.constant 9 : i32
    %swap3A_309 = arith.index_cast %swap3A_308 : i32 to index
    %swap3A_310 = arith.constant 80 : index
    %swap3A_311 = tpu.vector_load %arg6[%swap3A_309, %swap3A_310] {strides = array<i32>} : memref<16x128xf32, #tpu.memory_space<vmem>>, vector<16xf32>,
    tpu.vector_store %arg6[%swap3A_309, %swap3A_310], %broadcast_in_dim3A_0 {strides = array<i32>} : memref<16x128xf32, #tpu.memory_space<vmem>>, vector<16xf32>,
    %swap3A_312 = arith.constant 9 : i32
    %swap3A_313 = arith.index_cast %swap3A_312 : i32 to index
    %swap3A_314 = arith.constant 96 : index
    %swap3A_315 = tpu.vector_load %arg6[%swap3A_313, %swap3A_314] {strides = array<i32>} : memref<16x128xf32, #tpu.memory_space<vmem>>, vector<16xf32>,
    tpu.vector_store %arg6[%swap3A_313, %swap3A_314], %broadcast_in_dim3A_0 {strides = array<i32>} : memref<16x128xf32, #tpu.memory_space<vmem>>, vector<16xf32>,
    %swap3A_316 = arith.constant 9 : i32
    %swap3A_317 = arith.index_cast %swap3A_316 : i32 to index
    %swap3A_318 = arith.constant 112 : index
    %swap3A_319 = tpu.vector_load %arg6[%swap3A_317, %swap3A_318] {strides = array<i32>} : memref<16x128xf32, #tpu.memory_space<vmem>>, vector<16xf32>,
    tpu.vector_store %arg6[%swap3A_317, %swap3A_318], %broadcast_in_dim3A_0 {strides = array<i32>} : memref<16x128xf32, #tpu.memory_space<vmem>>, vector<16xf32>,
    %swap3A_320 = arith.constant 10 : i32
    %swap3A_321 = arith.index_cast %swap3A_320 : i32 to index
    %swap3A_322 = arith.constant 0 : index
    %swap3A_323 = tpu.vector_load %arg6[%swap3A_321, %swap3A_322] {strides = array<i32>} : memref<16x128xf32, #tpu.memory_space<vmem>>, vector<16xf32>,
    tpu.vector_store %arg6[%swap3A_321, %swap3A_322], %broadcast_in_dim3A_0 {strides = array<i32>} : memref<16x128xf32, #tpu.memory_space<vmem>>, vector<16xf32>,
    %swap3A_324 = arith.constant 10 : i32
    %swap3A_325 = arith.index_cast %swap3A_324 : i32 to index
    %swap3A_326 = arith.constant 16 : index
    %swap3A_327 = tpu.vector_load %arg6[%swap3A_325, %swap3A_326] {strides = array<i32>} : memref<16x128xf32, #tpu.memory_space<vmem>>, vector<16xf32>,
    tpu.vector_store %arg6[%swap3A_325, %swap3A_326], %broadcast_in_dim3A_0 {strides = array<i32>} : memref<16x128xf32, #tpu.memory_space<vmem>>, vector<16xf32>,
    %swap3A_328 = arith.constant 10 : i32
    %swap3A_329 = arith.index_cast %swap3A_328 : i32 to index
    %swap3A_330 = arith.constant 32 : index
    %swap3A_331 = tpu.vector_load %arg6[%swap3A_329, %swap3A_330] {strides = array<i32>} : memref<16x128xf32, #tpu.memory_space<vmem>>, vector<16xf32>,
    tpu.vector_store %arg6[%swap3A_329, %swap3A_330], %broadcast_in_dim3A_0 {strides = array<i32>} : memref<16x128xf32, #tpu.memory_space<vmem>>, vector<16xf32>,
    %swap3A_332 = arith.constant 10 : i32
    %swap3A_333 = arith.index_cast %swap3A_332 : i32 to index
    %swap3A_334 = arith.constant 48 : index
    %swap3A_335 = tpu.vector_load %arg6[%swap3A_333, %swap3A_334] {strides = array<i32>} : memref<16x128xf32, #tpu.memory_space<vmem>>, vector<16xf32>,
    tpu.vector_store %arg6[%swap3A_333, %swap3A_334], %broadcast_in_dim3A_0 {strides = array<i32>} : memref<16x128xf32, #tpu.memory_space<vmem>>, vector<16xf32>,
    %swap3A_336 = arith.constant 10 : i32
    %swap3A_337 = arith.index_cast %swap3A_336 : i32 to index
    %swap3A_338 = arith.constant 64 : index
    %swap3A_339 = tpu.vector_load %arg6[%swap3A_337, %swap3A_338] {strides = array<i32>} : memref<16x128xf32, #tpu.memory_space<vmem>>, vector<16xf32>,
    tpu.vector_store %arg6[%swap3A_337, %swap3A_338], %broadcast_in_dim3A_0 {strides = array<i32>} : memref<16x128xf32, #tpu.memory_space<vmem>>, vector<16xf32>,
    %swap3A_340 = arith.constant 10 : i32
    %swap3A_341 = arith.index_cast %swap3A_340 : i32 to index
    %swap3A_342 = arith.constant 80 : index
    %swap3A_343 = tpu.vector_load %arg6[%swap3A_341, %swap3A_342] {strides = array<i32>} : memref<16x128xf32, #tpu.memory_space<vmem>>, vector<16xf32>,
    tpu.vector_store %arg6[%swap3A_341, %swap3A_342], %broadcast_in_dim3A_0 {strides = array<i32>} : memref<16x128xf32, #tpu.memory_space<vmem>>, vector<16xf32>,
    %swap3A_344 = arith.constant 10 : i32
    %swap3A_345 = arith.index_cast %swap3A_344 : i32 to index
    %swap3A_346 = arith.constant 96 : index
    %swap3A_347 = tpu.vector_load %arg6[%swap3A_345, %swap3A_346] {strides = array<i32>} : memref<16x128xf32, #tpu.memory_space<vmem>>, vector<16xf32>,
    tpu.vector_store %arg6[%swap3A_345, %swap3A_346], %broadcast_in_dim3A_0 {strides = array<i32>} : memref<16x128xf32, #tpu.memory_space<vmem>>, vector<16xf32>,
    %swap3A_348 = arith.constant 10 : i32
    %swap3A_349 = arith.index_cast %swap3A_348 : i32 to index
    %swap3A_350 = arith.constant 112 : index
    %swap3A_351 = tpu.vector_load %arg6[%swap3A_349, %swap3A_350] {strides = array<i32>} : memref<16x128xf32, #tpu.memory_space<vmem>>, vector<16xf32>,
    tpu.vector_store %arg6[%swap3A_349, %swap3A_350], %broadcast_in_dim3A_0 {strides = array<i32>} : memref<16x128xf32, #tpu.memory_space<vmem>>, vector<16xf32>,
    %swap3A_352 = arith.constant 11 : i32
    %swap3A_353 = arith.index_cast %swap3A_352 : i32 to index
    %swap3A_354 = arith.constant 0 : index
    %swap3A_355 = tpu.vector_load %arg6[%swap3A_353, %swap3A_354] {strides = array<i32>} : memref<16x128xf32, #tpu.memory_space<vmem>>, vector<16xf32>,
    tpu.vector_store %arg6[%swap3A_353, %swap3A_354], %broadcast_in_dim3A_0 {strides = array<i32>} : memref<16x128xf32, #tpu.memory_space<vmem>>, vector<16xf32>,
    %swap3A_356 = arith.constant 11 : i32
    %swap3A_357 = arith.index_cast %swap3A_356 : i32 to index
    %swap3A_358 = arith.constant 16 : index
    %swap3A_359 = tpu.vector_load %arg6[%swap3A_357, %swap3A_358] {strides = array<i32>} : memref<16x128xf32, #tpu.memory_space<vmem>>, vector<16xf32>,
    tpu.vector_store %arg6[%swap3A_357, %swap3A_358], %broadcast_in_dim3A_0 {strides = array<i32>} : memref<16x128xf32, #tpu.memory_space<vmem>>, vector<16xf32>,
    %swap3A_360 = arith.constant 11 : i32
    %swap3A_361 = arith.index_cast %swap3A_360 : i32 to index
    %swap3A_362 = arith.constant 32 : index
    %swap3A_363 = tpu.vector_load %arg6[%swap3A_361, %swap3A_362] {strides = array<i32>} : memref<16x128xf32, #tpu.memory_space<vmem>>, vector<16xf32>,
    tpu.vector_store %arg6[%swap3A_361, %swap3A_362], %broadcast_in_dim3A_0 {strides = array<i32>} : memref<16x128xf32, #tpu.memory_space<vmem>>, vector<16xf32>,
    %swap3A_364 = arith.constant 11 : i32
    %swap3A_365 = arith.index_cast %swap3A_364 : i32 to index
    %swap3A_366 = arith.constant 48 : index
    %swap3A_367 = tpu.vector_load %arg6[%swap3A_365, %swap3A_366] {strides = array<i32>} : memref<16x128xf32, #tpu.memory_space<vmem>>, vector<16xf32>,
    tpu.vector_store %arg6[%swap3A_365, %swap3A_366], %broadcast_in_dim3A_0 {strides = array<i32>} : memref<16x128xf32, #tpu.memory_space<vmem>>, vector<16xf32>,
    %swap3A_368 = arith.constant 11 : i32
    %swap3A_369 = arith.index_cast %swap3A_368 : i32 to index
    %swap3A_370 = arith.constant 64 : index
    %swap3A_371 = tpu.vector_load %arg6[%swap3A_369, %swap3A_370] {strides = array<i32>} : memref<16x128xf32, #tpu.memory_space<vmem>>, vector<16xf32>,
    tpu.vector_store %arg6[%swap3A_369, %swap3A_370], %broadcast_in_dim3A_0 {strides = array<i32>} : memref<16x128xf32, #tpu.memory_space<vmem>>, vector<16xf32>,
    %swap3A_372 = arith.constant 11 : i32
    %swap3A_373 = arith.index_cast %swap3A_372 : i32 to index
    %swap3A_374 = arith.constant 80 : index
    %swap3A_375 = tpu.vector_load %arg6[%swap3A_373, %swap3A_374] {strides = array<i32>} : memref<16x128xf32, #tpu.memory_space<vmem>>, vector<16xf32>,
    tpu.vector_store %arg6[%swap3A_373, %swap3A_374], %broadcast_in_dim3A_0 {strides = array<i32>} : memref<16x128xf32, #tpu.memory_space<vmem>>, vector<16xf32>,
    %swap3A_376 = arith.constant 11 : i32
    %swap3A_377 = arith.index_cast %swap3A_376 : i32 to index
    %swap3A_378 = arith.constant 96 : index
    %swap3A_379 = tpu.vector_load %arg6[%swap3A_377, %swap3A_378] {strides = array<i32>} : memref<16x128xf32, #tpu.memory_space<vmem>>, vector<16xf32>,
    tpu.vector_store %arg6[%swap3A_377, %swap3A_378], %broadcast_in_dim3A_0 {strides = array<i32>} : memref<16x128xf32, #tpu.memory_space<vmem>>, vector<16xf32>,
    %swap3A_380 = arith.constant 11 : i32
    %swap3A_381 = arith.index_cast %swap3A_380 : i32 to index
    %swap3A_382 = arith.constant 112 : index
    %swap3A_383 = tpu.vector_load %arg6[%swap3A_381, %swap3A_382] {strides = array<i32>} : memref<16x128xf32, #tpu.memory_space<vmem>>, vector<16xf32>,
    tpu.vector_store %arg6[%swap3A_381, %swap3A_382], %broadcast_in_dim3A_0 {strides = array<i32>} : memref<16x128xf32, #tpu.memory_space<vmem>>, vector<16xf32>,
    %swap3A_384 = arith.constant 12 : i32
    %swap3A_385 = arith.index_cast %swap3A_384 : i32 to index
    %swap3A_386 = arith.constant 0 : index
    %swap3A_387 = tpu.vector_load %arg6[%swap3A_385, %swap3A_386] {strides = array<i32>} : memref<16x128xf32, #tpu.memory_space<vmem>>, vector<16xf32>,
    tpu.vector_store %arg6[%swap3A_385, %swap3A_386], %broadcast_in_dim3A_0 {strides = array<i32>} : memref<16x128xf32, #tpu.memory_space<vmem>>, vector<16xf32>,
    %swap3A_388 = arith.constant 12 : i32
    %swap3A_389 = arith.index_cast %swap3A_388 : i32 to index
    %swap3A_390 = arith.constant 16 : index
    %swap3A_391 = tpu.vector_load %arg6[%swap3A_389, %swap3A_390] {strides = array<i32>} : memref<16x128xf32, #tpu.memory_space<vmem>>, vector<16xf32>,
    tpu.vector_store %arg6[%swap3A_389, %swap3A_390], %broadcast_in_dim3A_0 {strides = array<i32>} : memref<16x128xf32, #tpu.memory_space<vmem>>, vector<16xf32>,
    %swap3A_392 = arith.constant 12 : i32
    %swap3A_393 = arith.index_cast %swap3A_392 : i32 to index
    %swap3A_394 = arith.constant 32 : index
    %swap3A_395 = tpu.vector_load %arg6[%swap3A_393, %swap3A_394] {strides = array<i32>} : memref<16x128xf32, #tpu.memory_space<vmem>>, vector<16xf32>,
    tpu.vector_store %arg6[%swap3A_393, %swap3A_394], %broadcast_in_dim3A_0 {strides = array<i32>} : memref<16x128xf32, #tpu.memory_space<vmem>>, vector<16xf32>,
    %swap3A_396 = arith.constant 12 : i32
    %swap3A_397 = arith.index_cast %swap3A_396 : i32 to index
    %swap3A_398 = arith.constant 48 : index
    %swap3A_399 = tpu.vector_load %arg6[%swap3A_397, %swap3A_398] {strides = array<i32>} : memref<16x128xf32, #tpu.memory_space<vmem>>, vector<16xf32>,
    tpu.vector_store %arg6[%swap3A_397, %swap3A_398], %broadcast_in_dim3A_0 {strides = array<i32>} : memref<16x128xf32, #tpu.memory_space<vmem>>, vector<16xf32>,
    %swap3A_400 = arith.constant 12 : i32
    %swap3A_401 = arith.index_cast %swap3A_400 : i32 to index
    %swap3A_402 = arith.constant 64 : index
    %swap3A_403 = tpu.vector_load %arg6[%swap3A_401, %swap3A_402] {strides = array<i32>} : memref<16x128xf32, #tpu.memory_space<vmem>>, vector<16xf32>,
    tpu.vector_store %arg6[%swap3A_401, %swap3A_402], %broadcast_in_dim3A_0 {strides = array<i32>} : memref<16x128xf32, #tpu.memory_space<vmem>>, vector<16xf32>,
    %swap3A_404 = arith.constant 12 : i32
    %swap3A_405 = arith.index_cast %swap3A_404 : i32 to index
    %swap3A_406 = arith.constant 80 : index
    %swap3A_407 = tpu.vector_load %arg6[%swap3A_405, %swap3A_406] {strides = array<i32>} : memref<16x128xf32, #tpu.memory_space<vmem>>, vector<16xf32>,
    tpu.vector_store %arg6[%swap3A_405, %swap3A_406], %broadcast_in_dim3A_0 {strides = array<i32>} : memref<16x128xf32, #tpu.memory_space<vmem>>, vector<16xf32>,
    %swap3A_408 = arith.constant 12 : i32
    %swap3A_409 = arith.index_cast %swap3A_408 : i32 to index
    %swap3A_410 = arith.constant 96 : index
    %swap3A_411 = tpu.vector_load %arg6[%swap3A_409, %swap3A_410] {strides = array<i32>} : memref<16x128xf32, #tpu.memory_space<vmem>>, vector<16xf32>,
    tpu.vector_store %arg6[%swap3A_409, %swap3A_410], %broadcast_in_dim3A_0 {strides = array<i32>} : memref<16x128xf32, #tpu.memory_space<vmem>>, vector<16xf32>,
    %swap3A_412 = arith.constant 12 : i32
    %swap3A_413 = arith.index_cast %swap3A_412 : i32 to index
    %swap3A_414 = arith.constant 112 : index
    %swap3A_415 = tpu.vector_load %arg6[%swap3A_413, %swap3A_414] {strides = array<i32>} : memref<16x128xf32, #tpu.memory_space<vmem>>, vector<16xf32>,
    tpu.vector_store %arg6[%swap3A_413, %swap3A_414], %broadcast_in_dim3A_0 {strides = array<i32>} : memref<16x128xf32, #tpu.memory_space<vmem>>, vector<16xf32>,
    %swap3A_416 = arith.constant 13 : i32
    %swap3A_417 = arith.index_cast %swap3A_416 : i32 to index
    %swap3A_418 = arith.constant 0 : index
    %swap3A_419 = tpu.vector_load %arg6[%swap3A_417, %swap3A_418] {strides = array<i32>} : memref<16x128xf32, #tpu.memory_space<vmem>>, vector<16xf32>,
    tpu.vector_store %arg6[%swap3A_417, %swap3A_418], %broadcast_in_dim3A_0 {strides = array<i32>} : memref<16x128xf32, #tpu.memory_space<vmem>>, vector<16xf32>,
    %swap3A_420 = arith.constant 13 : i32
    %swap3A_421 = arith.index_cast %swap3A_420 : i32 to index
    %swap3A_422 = arith.constant 16 : index
    %swap3A_423 = tpu.vector_load %arg6[%swap3A_421, %swap3A_422] {strides = array<i32>} : memref<16x128xf32, #tpu.memory_space<vmem>>, vector<16xf32>,
    tpu.vector_store %arg6[%swap3A_421, %swap3A_422], %broadcast_in_dim3A_0 {strides = array<i32>} : memref<16x128xf32, #tpu.memory_space<vmem>>, vector<16xf32>,
    %swap3A_424 = arith.constant 13 : i32
    %swap3A_425 = arith.index_cast %swap3A_424 : i32 to index
    %swap3A_426 = arith.constant 32 : index
    %swap3A_427 = tpu.vector_load %arg6[%swap3A_425, %swap3A_426] {strides = array<i32>} : memref<16x128xf32, #tpu.memory_space<vmem>>, vector<16xf32>,
    tpu.vector_store %arg6[%swap3A_425, %swap3A_426], %broadcast_in_dim3A_0 {strides = array<i32>} : memref<16x128xf32, #tpu.memory_space<vmem>>, vector<16xf32>,
    %swap3A_428 = arith.constant 13 : i32
    %swap3A_429 = arith.index_cast %swap3A_428 : i32 to index
    %swap3A_430 = arith.constant 48 : index
    %swap3A_431 = tpu.vector_load %arg6[%swap3A_429, %swap3A_430] {strides = array<i32>} : memref<16x128xf32, #tpu.memory_space<vmem>>, vector<16xf32>,
    tpu.vector_store %arg6[%swap3A_429, %swap3A_430], %broadcast_in_dim3A_0 {strides = array<i32>} : memref<16x128xf32, #tpu.memory_space<vmem>>, vector<16xf32>,
    %swap3A_432 = arith.constant 13 : i32
    %swap3A_433 = arith.index_cast %swap3A_432 : i32 to index
    %swap3A_434 = arith.constant 64 : index
    %swap3A_435 = tpu.vector_load %arg6[%swap3A_433, %swap3A_434] {strides = array<i32>} : memref<16x128xf32, #tpu.memory_space<vmem>>, vector<16xf32>,
    tpu.vector_store %arg6[%swap3A_433, %swap3A_434], %broadcast_in_dim3A_0 {strides = array<i32>} : memref<16x128xf32, #tpu.memory_space<vmem>>, vector<16xf32>,
    %swap3A_436 = arith.constant 13 : i32
    %swap3A_437 = arith.index_cast %swap3A_436 : i32 to index
    %swap3A_438 = arith.constant 80 : index
    %swap3A_439 = tpu.vector_load %arg6[%swap3A_437, %swap3A_438] {strides = array<i32>} : memref<16x128xf32, #tpu.memory_space<vmem>>, vector<16xf32>,
    tpu.vector_store %arg6[%swap3A_437, %swap3A_438], %broadcast_in_dim3A_0 {strides = array<i32>} : memref<16x128xf32, #tpu.memory_space<vmem>>, vector<16xf32>,
    %swap3A_440 = arith.constant 13 : i32
    %swap3A_441 = arith.index_cast %swap3A_440 : i32 to index
    %swap3A_442 = arith.constant 96 : index
    %swap3A_443 = tpu.vector_load %arg6[%swap3A_441, %swap3A_442] {strides = array<i32>} : memref<16x128xf32, #tpu.memory_space<vmem>>, vector<16xf32>,
    tpu.vector_store %arg6[%swap3A_441, %swap3A_442], %broadcast_in_dim3A_0 {strides = array<i32>} : memref<16x128xf32, #tpu.memory_space<vmem>>, vector<16xf32>,
    %swap3A_444 = arith.constant 13 : i32
    %swap3A_445 = arith.index_cast %swap3A_444 : i32 to index
    %swap3A_446 = arith.constant 112 : index
    %swap3A_447 = tpu.vector_load %arg6[%swap3A_445, %swap3A_446] {strides = array<i32>} : memref<16x128xf32, #tpu.memory_space<vmem>>, vector<16xf32>,
    tpu.vector_store %arg6[%swap3A_445, %swap3A_446], %broadcast_in_dim3A_0 {strides = array<i32>} : memref<16x128xf32, #tpu.memory_space<vmem>>, vector<16xf32>,
    %swap3A_448 = arith.constant 14 : i32
    %swap3A_449 = arith.index_cast %swap3A_448 : i32 to index
    %swap3A_450 = arith.constant 0 : index
    %swap3A_451 = tpu.vector_load %arg6[%swap3A_449, %swap3A_450] {strides = array<i32>} : memref<16x128xf32, #tpu.memory_space<vmem>>, vector<16xf32>,
    tpu.vector_store %arg6[%swap3A_449, %swap3A_450], %broadcast_in_dim3A_0 {strides = array<i32>} : memref<16x128xf32, #tpu.memory_space<vmem>>, vector<16xf32>,
    %swap3A_452 = arith.constant 14 : i32
    %swap3A_453 = arith.index_cast %swap3A_452 : i32 to index
    %swap3A_454 = arith.constant 16 : index
    %swap3A_455 = tpu.vector_load %arg6[%swap3A_453, %swap3A_454] {strides = array<i32>} : memref<16x128xf32, #tpu.memory_space<vmem>>, vector<16xf32>,
    tpu.vector_store %arg6[%swap3A_453, %swap3A_454], %broadcast_in_dim3A_0 {strides = array<i32>} : memref<16x128xf32, #tpu.memory_space<vmem>>, vector<16xf32>,
    %swap3A_456 = arith.constant 14 : i32
    %swap3A_457 = arith.index_cast %swap3A_456 : i32 to index
    %swap3A_458 = arith.constant 32 : index
    %swap3A_459 = tpu.vector_load %arg6[%swap3A_457, %swap3A_458] {strides = array<i32>} : memref<16x128xf32, #tpu.memory_space<vmem>>, vector<16xf32>,
    tpu.vector_store %arg6[%swap3A_457, %swap3A_458], %broadcast_in_dim3A_0 {strides = array<i32>} : memref<16x128xf32, #tpu.memory_space<vmem>>, vector<16xf32>,
    %swap3A_460 = arith.constant 14 : i32
    %swap3A_461 = arith.index_cast %swap3A_460 : i32 to index
    %swap3A_462 = arith.constant 48 : index
    %swap3A_463 = tpu.vector_load %arg6[%swap3A_461, %swap3A_462] {strides = array<i32>} : memref<16x128xf32, #tpu.memory_space<vmem>>, vector<16xf32>,
    tpu.vector_store %arg6[%swap3A_461, %swap3A_462], %broadcast_in_dim3A_0 {strides = array<i32>} : memref<16x128xf32, #tpu.memory_space<vmem>>, vector<16xf32>,
    %swap3A_464 = arith.constant 14 : i32
    %swap3A_465 = arith.index_cast %swap3A_464 : i32 to index
    %swap3A_466 = arith.constant 64 : index
    %swap3A_467 = tpu.vector_load %arg6[%swap3A_465, %swap3A_466] {strides = array<i32>} : memref<16x128xf32, #tpu.memory_space<vmem>>, vector<16xf32>,
    tpu.vector_store %arg6[%swap3A_465, %swap3A_466], %broadcast_in_dim3A_0 {strides = array<i32>} : memref<16x128xf32, #tpu.memory_space<vmem>>, vector<16xf32>,
    %swap3A_468 = arith.constant 14 : i32
    %swap3A_469 = arith.index_cast %swap3A_468 : i32 to index
    %swap3A_470 = arith.constant 80 : index
    %swap3A_471 = tpu.vector_load %arg6[%swap3A_469, %swap3A_470] {strides = array<i32>} : memref<16x128xf32, #tpu.memory_space<vmem>>, vector<16xf32>,
    tpu.vector_store %arg6[%swap3A_469, %swap3A_470], %broadcast_in_dim3A_0 {strides = array<i32>} : memref<16x128xf32, #tpu.memory_space<vmem>>, vector<16xf32>,
    %swap3A_472 = arith.constant 14 : i32
    %swap3A_473 = arith.index_cast %swap3A_472 : i32 to index
    %swap3A_474 = arith.constant 96 : index
    %swap3A_475 = tpu.vector_load %arg6[%swap3A_473, %swap3A_474] {strides = array<i32>} : memref<16x128xf32, #tpu.memory_space<vmem>>, vector<16xf32>,
    tpu.vector_store %arg6[%swap3A_473, %swap3A_474], %broadcast_in_dim3A_0 {strides = array<i32>} : memref<16x128xf32, #tpu.memory_space<vmem>>, vector<16xf32>,
    %swap3A_476 = arith.constant 14 : i32
    %swap3A_477 = arith.index_cast %swap3A_476 : i32 to index
    %swap3A_478 = arith.constant 112 : index
    %swap3A_479 = tpu.vector_load %arg6[%swap3A_477, %swap3A_478] {strides = array<i32>} : memref<16x128xf32, #tpu.memory_space<vmem>>, vector<16xf32>,
    tpu.vector_store %arg6[%swap3A_477, %swap3A_478], %broadcast_in_dim3A_0 {strides = array<i32>} : memref<16x128xf32, #tpu.memory_space<vmem>>, vector<16xf32>,
    %swap3A_480 = arith.constant 15 : i32
    %swap3A_481 = arith.index_cast %swap3A_480 : i32 to index
    %swap3A_482 = arith.constant 0 : index
    %swap3A_483 = tpu.vector_load %arg6[%swap3A_481, %swap3A_482] {strides = array<i32>} : memref<16x128xf32, #tpu.memory_space<vmem>>, vector<16xf32>,
    tpu.vector_store %arg6[%swap3A_481, %swap3A_482], %broadcast_in_dim3A_0 {strides = array<i32>} : memref<16x128xf32, #tpu.memory_space<vmem>>, vector<16xf32>,
    %swap3A_484 = arith.constant 15 : i32
    %swap3A_485 = arith.index_cast %swap3A_484 : i32 to index
    %swap3A_486 = arith.constant 16 : index
    %swap3A_487 = tpu.vector_load %arg6[%swap3A_485, %swap3A_486] {strides = array<i32>} : memref<16x128xf32, #tpu.memory_space<vmem>>, vector<16xf32>,
    tpu.vector_store %arg6[%swap3A_485, %swap3A_486], %broadcast_in_dim3A_0 {strides = array<i32>} : memref<16x128xf32, #tpu.memory_space<vmem>>, vector<16xf32>,
    %swap3A_488 = arith.constant 15 : i32
    %swap3A_489 = arith.index_cast %swap3A_488 : i32 to index
    %swap3A_490 = arith.constant 32 : index
    %swap3A_491 = tpu.vector_load %arg6[%swap3A_489, %swap3A_490] {strides = array<i32>} : memref<16x128xf32, #tpu.memory_space<vmem>>, vector<16xf32>,
    tpu.vector_store %arg6[%swap3A_489, %swap3A_490], %broadcast_in_dim3A_0 {strides = array<i32>} : memref<16x128xf32, #tpu.memory_space<vmem>>, vector<16xf32>,
    %swap3A_492 = arith.constant 15 : i32
    %swap3A_493 = arith.index_cast %swap3A_492 : i32 to index
    %swap3A_494 = arith.constant 48 : index
    %swap3A_495 = tpu.vector_load %arg6[%swap3A_493, %swap3A_494] {strides = array<i32>} : memref<16x128xf32, #tpu.memory_space<vmem>>, vector<16xf32>,
    tpu.vector_store %arg6[%swap3A_493, %swap3A_494], %broadcast_in_dim3A_0 {strides = array<i32>} : memref<16x128xf32, #tpu.memory_space<vmem>>, vector<16xf32>,
    %swap3A_496 = arith.constant 15 : i32
    %swap3A_497 = arith.index_cast %swap3A_496 : i32 to index
    %swap3A_498 = arith.constant 64 : index
    %swap3A_499 = tpu.vector_load %arg6[%swap3A_497, %swap3A_498] {strides = array<i32>} : memref<16x128xf32, #tpu.memory_space<vmem>>, vector<16xf32>,
    tpu.vector_store %arg6[%swap3A_497, %swap3A_498], %broadcast_in_dim3A_0 {strides = array<i32>} : memref<16x128xf32, #tpu.memory_space<vmem>>, vector<16xf32>,
    %swap3A_500 = arith.constant 15 : i32
    %swap3A_501 = arith.index_cast %swap3A_500 : i32 to index
    %swap3A_502 = arith.constant 80 : index
    %swap3A_503 = tpu.vector_load %arg6[%swap3A_501, %swap3A_502] {strides = array<i32>} : memref<16x128xf32, #tpu.memory_space<vmem>>, vector<16xf32>,
    tpu.vector_store %arg6[%swap3A_501, %swap3A_502], %broadcast_in_dim3A_0 {strides = array<i32>} : memref<16x128xf32, #tpu.memory_space<vmem>>, vector<16xf32>,
    %swap3A_504 = arith.constant 15 : i32
    %swap3A_505 = arith.index_cast %swap3A_504 : i32 to index
    %swap3A_506 = arith.constant 96 : index
    %swap3A_507 = tpu.vector_load %arg6[%swap3A_505, %swap3A_506] {strides = array<i32>} : memref<16x128xf32, #tpu.memory_space<vmem>>, vector<16xf32>,
    tpu.vector_store %arg6[%swap3A_505, %swap3A_506], %broadcast_in_dim3A_0 {strides = array<i32>} : memref<16x128xf32, #tpu.memory_space<vmem>>, vector<16xf32>,
    %swap3A_508 = arith.constant 15 : i32
    %swap3A_509 = arith.index_cast %swap3A_508 : i32 to index
    %swap3A_510 = arith.constant 112 : index
    %swap3A_511 = tpu.vector_load %arg6[%swap3A_509, %swap3A_510] {strides = array<i32>} : memref<16x128xf32, #tpu.memory_space<vmem>>, vector<16xf32>,
    tpu.vector_store %arg6[%swap3A_509, %swap3A_510], %broadcast_in_dim3A_0 {strides = array<i32>} : memref<16x128xf32, #tpu.memory_space<vmem>>, vector<16xf32>,
    %lt3A = arith.constant 4 : i32
    %lt3A_512 = arith.cmpi slt, %arg1, %lt3A : i32
    %convert_element_type3A = arith.extui %lt3A_512 : i1 to i32
    %cond3A = arith.constant 0 : i32
    %cond3A_513 = arith.cmpi ne, %convert_element_type3A, %cond3A : i32
    scf.if %cond3A_513 {
      %mul3A_553 = arith.constant 16 : i32
      %mul3A_554 = arith.muli %arg1, %mul3A_553 : i32
      "tpu.region"() ({
        %run_scoped3A_555 = tpu.sem_alloc : memref<!tpu.dma_semaphore, #tpu.memory_space<semaphore_mem>>
        %dma_start3A = arith.constant 0 : i32
        %dma_start3A_556 = tpu.memref_slice %arg7[%mul3A_554, %dma_start3A] : memref<68x128xf32, #tpu.memory_space<vmem_shared>> -> memref<16x128xf32, #tpu.memory_space<vmem_shared>>
        %dma_start3A_557 = arith.constant 0 : i32
        %dma_start3A_558 = tpu.memref_slice %arg7[%mul3A_554, %dma_start3A_557] : memref<68x128xf32, #tpu.memory_space<vmem_shared>> -> memref<16x128xf32, #tpu.memory_space<vmem_shared>>
        tpu.enqueue_dma source(%arg6 : memref<16x128xf32, #tpu.memory_space<vmem>>) target(%dma_start3A_558 : memref<16x128xf32, #tpu.memory_space<vmem_shared>>) target_semaphore(%run_scoped3A_555 : memref<!tpu.dma_semaphore, #tpu.memory_space<semaphore_mem>>)
        %dma_wait3A = arith.constant 0 : i32
        %dma_wait3A_559 = tpu.memref_slice %arg7[%mul3A_554, %dma_wait3A] : memref<68x128xf32, #tpu.memory_space<vmem_shared>> -> memref<16x128xf32, #tpu.memory_space<vmem_shared>>
        %dma_wait3A_560 = arith.constant 0 : i32
        %dma_wait3A_561 = tpu.memref_slice %arg7[%mul3A_554, %dma_wait3A_560] : memref<68x128xf32, #tpu.memory_space<vmem_shared>> -> memref<16x128xf32, #tpu.memory_space<vmem_shared>>
        tpu.wait_dma2 semaphore(%run_scoped3A_555 : memref<!tpu.dma_semaphore, #tpu.memory_space<semaphore_mem>>) src(%arg6 : memref<16x128xf32, #tpu.memory_space<vmem>>) dst(%dma_wait3A_561 : memref<16x128xf32, #tpu.memory_space<vmem_shared>>)
        tpu.yield
      }) : () -> ()
    } else {
    }
    %eq3A = arith.constant 4 : i32
    %eq3A_514 = arith.cmpi eq, %arg1, %eq3A : i32
    %convert_element_type3A_515 = arith.extui %eq3A_514 : i1 to i32
    %cond3A_516 = arith.constant 0 : i32
    %cond3A_517 = arith.cmpi ne, %convert_element_type3A_515, %cond3A_516 : i32
    scf.if %cond3A_517 {
      "tpu.region"() ({
        %run_scoped3A_553 = tpu.sem_alloc : memref<!tpu.dma_semaphore, #tpu.memory_space<semaphore_mem>>
        %dma_start3A = arith.constant 0 : i32
        %dma_start3A_554 = arith.constant 0 : i32
        %dma_start3A_555 = tpu.memref_slice %arg6[%dma_start3A, %dma_start3A_554] : memref<16x128xf32, #tpu.memory_space<vmem>> -> memref<4x128xf32, #tpu.memory_space<vmem>>
        %dma_start3A_556 = arith.constant 64 : i32
        %dma_start3A_557 = arith.constant 0 : i32
        %dma_start3A_558 = tpu.memref_slice %arg7[%dma_start3A_556, %dma_start3A_557] : memref<68x128xf32, #tpu.memory_space<vmem_shared>> -> memref<4x128xf32, #tpu.memory_space<vmem_shared>>
        %dma_start3A_559 = arith.constant 64 : i32
        %dma_start3A_560 = arith.constant 0 : i32
        %dma_start3A_561 = tpu.memref_slice %arg7[%dma_start3A_559, %dma_start3A_560] : memref<68x128xf32, #tpu.memory_space<vmem_shared>> -> memref<4x128xf32, #tpu.memory_space<vmem_shared>>
        %dma_start3A_562 = arith.constant 0 : i32
        %dma_start3A_563 = arith.constant 0 : i32
        %dma_start3A_564 = tpu.memref_slice %arg6[%dma_start3A_562, %dma_start3A_563] : memref<16x128xf32, #tpu.memory_space<vmem>> -> memref<4x128xf32, #tpu.memory_space<vmem>>
        tpu.enqueue_dma source(%dma_start3A_564 : memref<4x128xf32, #tpu.memory_space<vmem>>) target(%dma_start3A_561 : memref<4x128xf32, #tpu.memory_space<vmem_shared>>) target_semaphore(%run_scoped3A_553 : memref<!tpu.dma_semaphore, #tpu.memory_space<semaphore_mem>>)
        %dma_wait3A = arith.constant 0 : i32
        %dma_wait3A_565 = arith.constant 0 : i32
        %dma_wait3A_566 = tpu.memref_slice %arg6[%dma_wait3A, %dma_wait3A_565] : memref<16x128xf32, #tpu.memory_space<vmem>> -> memref<4x128xf32, #tpu.memory_space<vmem>>
        %dma_wait3A_567 = arith.constant 64 : i32
        %dma_wait3A_568 = arith.constant 0 : i32
        %dma_wait3A_569 = tpu.memref_slice %arg7[%dma_wait3A_567, %dma_wait3A_568] : memref<68x128xf32, #tpu.memory_space<vmem_shared>> -> memref<4x128xf32, #tpu.memory_space<vmem_shared>>
        %dma_wait3A_570 = arith.constant 64 : i32
        %dma_wait3A_571 = arith.constant 0 : i32
        %dma_wait3A_572 = tpu.memref_slice %arg7[%dma_wait3A_570, %dma_wait3A_571] : memref<68x128xf32, #tpu.memory_space<vmem_shared>> -> memref<4x128xf32, #tpu.memory_space<vmem_shared>>
        %dma_wait3A_573 = arith.constant 0 : i32
        %dma_wait3A_574 = arith.constant 0 : i32
        %dma_wait3A_575 = tpu.memref_slice %arg6[%dma_wait3A_573, %dma_wait3A_574] : memref<16x128xf32, #tpu.memory_space<vmem>> -> memref<4x128xf32, #tpu.memory_space<vmem>>
        tpu.wait_dma2 semaphore(%run_scoped3A_553 : memref<!tpu.dma_semaphore, #tpu.memory_space<semaphore_mem>>) src(%dma_wait3A_575 : memref<4x128xf32, #tpu.memory_space<vmem>>) dst(%dma_wait3A_572 : memref<4x128xf32, #tpu.memory_space<vmem_shared>>)
        tpu.yield
      }) : () -> ()
    } else {
    }
    %barrier3A = arith.constant 0 : index
    tpu.barrier barrier_id(%barrier3A)
    %iota3A = tpu.iota {dimensions = array<i32: 0>} : vector<16xi32>
    %broadcast_in_dim3A_518 = arith.constant 0.000000e+00 : f32
    %broadcast_in_dim3A_519 = vector.broadcast %broadcast_in_dim3A_518 : f32 to vector<16xf32>
    %add3A = arith.constant 1.000000e+00 : f32
    %add3A_520 = vector.broadcast %add3A : f32 to vector<16xf32>
    %add3A_521 = arith.addf %broadcast_in_dim3A_519, %add3A_520 : vector<16xf32>
    %broadcast_in_dim3A_522 = arith.constant 0.000000e+00 : f32
    %broadcast_in_dim3A_523 = vector.broadcast %broadcast_in_dim3A_522 : f32 to vector<16xf32>
    %mul3A = arith.constant 17 : i32
    %mul3A_524 = arith.muli %arg0, %mul3A : i32
    %add3A_525 = arith.addi %mul3A_524, %arg1 : i32
    %mul3A_526 = arith.constant 16 : i32
    %mul3A_527 = arith.muli %add3A_525, %mul3A_526 : i32
    %run_scoped3A = arith.constant 0 : i32
    %run_scoped3A_528 = arith.constant 0 : i32
    "tpu.region"() ({
      %run_scoped3A_553 = tpu.sem_alloc : memref<!tpu.dma_semaphore, #tpu.memory_space<semaphore_mem>>
      %dma_start3A = arith.constant 0 : i32
      %dma_start3A_554 = tpu.memref_slice %arg4[%run_scoped3A_528, %dma_start3A] : memref<1x16xi32, #tpu.memory_space<vmem>> -> memref<1x16xi32, #tpu.memory_space<vmem>>
      %dma_start3A_555 = tpu.memref_squeeze %dma_start3A_554 : memref<1x16xi32, #tpu.memory_space<vmem>> -> memref<16xi32, #tpu.memory_space<vmem>>
      %dma_start3A_556 = arith.constant 0 : i32
      %dma_start3A_557 = tpu.memref_slice %arg2[%run_scoped3A, %dma_start3A_556] : memref<2x544xi32, #tpu.memory_space<hbm>> -> memref<1x544xi32, #tpu.memory_space<hbm>>
      %dma_start3A_558 = tpu.memref_squeeze %dma_start3A_557 : memref<1x544xi32, #tpu.memory_space<hbm>> -> memref<544xi32, #tpu.memory_space<hbm>>
      %dma_start3A_559 = tpu.memref_slice %dma_start3A_558[%mul3A_527] : memref<544xi32, #tpu.memory_space<hbm>> -> memref<16xi32, #tpu.memory_space<hbm>>
      %dma_start3A_560 = arith.constant 0 : i32
      %dma_start3A_561 = tpu.memref_slice %arg4[%run_scoped3A_528, %dma_start3A_560] : memref<1x16xi32, #tpu.memory_space<vmem>> -> memref<1x16xi32, #tpu.memory_space<vmem>>
      %dma_start3A_562 = tpu.memref_squeeze %dma_start3A_561 : memref<1x16xi32, #tpu.memory_space<vmem>> -> memref<16xi32, #tpu.memory_space<vmem>>
      %dma_start3A_563 = arith.constant 0 : i32
      %dma_start3A_564 = tpu.memref_slice %arg2[%run_scoped3A, %dma_start3A_563] : memref<2x544xi32, #tpu.memory_space<hbm>> -> memref<1x544xi32, #tpu.memory_space<hbm>>
      %dma_start3A_565 = tpu.memref_squeeze %dma_start3A_564 : memref<1x544xi32, #tpu.memory_space<hbm>> -> memref<544xi32, #tpu.memory_space<hbm>>
      %dma_start3A_566 = tpu.memref_slice %dma_start3A_565[%mul3A_527] : memref<544xi32, #tpu.memory_space<hbm>> -> memref<16xi32, #tpu.memory_space<hbm>>
      tpu.enqueue_dma source(%dma_start3A_566 : memref<16xi32, #tpu.memory_space<hbm>>) target(%dma_start3A_562 : memref<16xi32, #tpu.memory_space<vmem>>) target_semaphore(%run_scoped3A_553 : memref<!tpu.dma_semaphore, #tpu.memory_space<semaphore_mem>>)
      %dma_wait3A = arith.constant 0 : i32
      %dma_wait3A_567 = tpu.memref_slice %arg4[%run_scoped3A_528, %dma_wait3A] : memref<1x16xi32, #tpu.memory_space<vmem>> -> memref<1x16xi32, #tpu.memory_space<vmem>>
      %dma_wait3A_568 = tpu.memref_squeeze %dma_wait3A_567 : memref<1x16xi32, #tpu.memory_space<vmem>> -> memref<16xi32, #tpu.memory_space<vmem>>
      %dma_wait3A_569 = arith.constant 0 : i32
      %dma_wait3A_570 = tpu.memref_slice %arg2[%run_scoped3A, %dma_wait3A_569] : memref<2x544xi32, #tpu.memory_space<hbm>> -> memref<1x544xi32, #tpu.memory_space<hbm>>
      %dma_wait3A_571 = tpu.memref_squeeze %dma_wait3A_570 : memref<1x544xi32, #tpu.memory_space<hbm>> -> memref<544xi32, #tpu.memory_space<hbm>>
      %dma_wait3A_572 = tpu.memref_slice %dma_wait3A_571[%mul3A_527] : memref<544xi32, #tpu.memory_space<hbm>> -> memref<16xi32, #tpu.memory_space<hbm>>
      %dma_wait3A_573 = arith.constant 0 : i32
      %dma_wait3A_574 = tpu.memref_slice %arg4[%run_scoped3A_528, %dma_wait3A_573] : memref<1x16xi32, #tpu.memory_space<vmem>> -> memref<1x16xi32, #tpu.memory_space<vmem>>
      %dma_wait3A_575 = tpu.memref_squeeze %dma_wait3A_574 : memref<1x16xi32, #tpu.memory_space<vmem>> -> memref<16xi32, #tpu.memory_space<vmem>>
      %dma_wait3A_576 = arith.constant 0 : i32
      %dma_wait3A_577 = tpu.memref_slice %arg2[%run_scoped3A, %dma_wait3A_576] : memref<2x544xi32, #tpu.memory_space<hbm>> -> memref<1x544xi32, #tpu.memory_space<hbm>>
      %dma_wait3A_578 = tpu.memref_squeeze %dma_wait3A_577 : memref<1x544xi32, #tpu.memory_space<hbm>> -> memref<544xi32, #tpu.memory_space<hbm>>
      %dma_wait3A_579 = tpu.memref_slice %dma_wait3A_578[%mul3A_527] : memref<544xi32, #tpu.memory_space<hbm>> -> memref<16xi32, #tpu.memory_space<hbm>>
      tpu.wait_dma2 semaphore(%run_scoped3A_553 : memref<!tpu.dma_semaphore, #tpu.memory_space<semaphore_mem>>) src(%dma_wait3A_579 : memref<16xi32, #tpu.memory_space<hbm>>) dst(%dma_wait3A_575 : memref<16xi32, #tpu.memory_space<vmem>>)
      tpu.yield
    }) : () -> ()
    %mul3A_529 = arith.constant 16 : i32
    %mul3A_530 = arith.muli %add3A_525, %mul3A_529 : i32
    %run_scoped3A_531 = arith.constant 1 : i32
    %run_scoped3A_532 = arith.constant 0 : i32
    "tpu.region"() ({
      %run_scoped3A_553 = tpu.sem_alloc : memref<!tpu.dma_semaphore, #tpu.memory_space<semaphore_mem>>
      %dma_start3A = arith.constant 0 : i32
      %dma_start3A_554 = tpu.memref_slice %arg5[%run_scoped3A_532, %dma_start3A] : memref<1x16xi32, #tpu.memory_space<vmem>> -> memref<1x16xi32, #tpu.memory_space<vmem>>
      %dma_start3A_555 = tpu.memref_squeeze %dma_start3A_554 : memref<1x16xi32, #tpu.memory_space<vmem>> -> memref<16xi32, #tpu.memory_space<vmem>>
      %dma_start3A_556 = arith.constant 0 : i32
      %dma_start3A_557 = tpu.memref_slice %arg2[%run_scoped3A_531, %dma_start3A_556] : memref<2x544xi32, #tpu.memory_space<hbm>> -> memref<1x544xi32, #tpu.memory_space<hbm>>
      %dma_start3A_558 = tpu.memref_squeeze %dma_start3A_557 : memref<1x544xi32, #tpu.memory_space<hbm>> -> memref<544xi32, #tpu.memory_space<hbm>>
      %dma_start3A_559 = tpu.memref_slice %dma_start3A_558[%mul3A_530] : memref<544xi32, #tpu.memory_space<hbm>> -> memref<16xi32, #tpu.memory_space<hbm>>
      %dma_start3A_560 = arith.constant 0 : i32
      %dma_start3A_561 = tpu.memref_slice %arg5[%run_scoped3A_532, %dma_start3A_560] : memref<1x16xi32, #tpu.memory_space<vmem>> -> memref<1x16xi32, #tpu.memory_space<vmem>>
      %dma_start3A_562 = tpu.memref_squeeze %dma_start3A_561 : memref<1x16xi32, #tpu.memory_space<vmem>> -> memref<16xi32, #tpu.memory_space<vmem>>
      %dma_start3A_563 = arith.constant 0 : i32
      %dma_start3A_564 = tpu.memref_slice %arg2[%run_scoped3A_531, %dma_start3A_563] : memref<2x544xi32, #tpu.memory_space<hbm>> -> memref<1x544xi32, #tpu.memory_space<hbm>>
      %dma_start3A_565 = tpu.memref_squeeze %dma_start3A_564 : memref<1x544xi32, #tpu.memory_space<hbm>> -> memref<544xi32, #tpu.memory_space<hbm>>
      %dma_start3A_566 = tpu.memref_slice %dma_start3A_565[%mul3A_530] : memref<544xi32, #tpu.memory_space<hbm>> -> memref<16xi32, #tpu.memory_space<hbm>>
      tpu.enqueue_dma source(%dma_start3A_566 : memref<16xi32, #tpu.memory_space<hbm>>) target(%dma_start3A_562 : memref<16xi32, #tpu.memory_space<vmem>>) target_semaphore(%run_scoped3A_553 : memref<!tpu.dma_semaphore, #tpu.memory_space<semaphore_mem>>)
      %dma_wait3A = arith.constant 0 : i32
      %dma_wait3A_567 = tpu.memref_slice %arg5[%run_scoped3A_532, %dma_wait3A] : memref<1x16xi32, #tpu.memory_space<vmem>> -> memref<1x16xi32, #tpu.memory_space<vmem>>
      %dma_wait3A_568 = tpu.memref_squeeze %dma_wait3A_567 : memref<1x16xi32, #tpu.memory_space<vmem>> -> memref<16xi32, #tpu.memory_space<vmem>>
      %dma_wait3A_569 = arith.constant 0 : i32
      %dma_wait3A_570 = tpu.memref_slice %arg2[%run_scoped3A_531, %dma_wait3A_569] : memref<2x544xi32, #tpu.memory_space<hbm>> -> memref<1x544xi32, #tpu.memory_space<hbm>>
      %dma_wait3A_571 = tpu.memref_squeeze %dma_wait3A_570 : memref<1x544xi32, #tpu.memory_space<hbm>> -> memref<544xi32, #tpu.memory_space<hbm>>
      %dma_wait3A_572 = tpu.memref_slice %dma_wait3A_571[%mul3A_530] : memref<544xi32, #tpu.memory_space<hbm>> -> memref<16xi32, #tpu.memory_space<hbm>>
      %dma_wait3A_573 = arith.constant 0 : i32
      %dma_wait3A_574 = tpu.memref_slice %arg5[%run_scoped3A_532, %dma_wait3A_573] : memref<1x16xi32, #tpu.memory_space<vmem>> -> memref<1x16xi32, #tpu.memory_space<vmem>>
      %dma_wait3A_575 = tpu.memref_squeeze %dma_wait3A_574 : memref<1x16xi32, #tpu.memory_space<vmem>> -> memref<16xi32, #tpu.memory_space<vmem>>
      %dma_wait3A_576 = arith.constant 0 : i32
      %dma_wait3A_577 = tpu.memref_slice %arg2[%run_scoped3A_531, %dma_wait3A_576] : memref<2x544xi32, #tpu.memory_space<hbm>> -> memref<1x544xi32, #tpu.memory_space<hbm>>
      %dma_wait3A_578 = tpu.memref_squeeze %dma_wait3A_577 : memref<1x544xi32, #tpu.memory_space<hbm>> -> memref<544xi32, #tpu.memory_space<hbm>>
      %dma_wait3A_579 = tpu.memref_slice %dma_wait3A_578[%mul3A_530] : memref<544xi32, #tpu.memory_space<hbm>> -> memref<16xi32, #tpu.memory_space<hbm>>
      tpu.wait_dma2 semaphore(%run_scoped3A_553 : memref<!tpu.dma_semaphore, #tpu.memory_space<semaphore_mem>>) src(%dma_wait3A_579 : memref<16xi32, #tpu.memory_space<hbm>>) dst(%dma_wait3A_575 : memref<16xi32, #tpu.memory_space<vmem>>)
      tpu.yield
    }) : () -> ()
    %get3A = arith.constant 0 : i32
    %get3A_533 = arith.index_cast %get3A : i32 to index
    %get3A_534 = arith.constant 0 : index
    %get3A_535 = tpu.vector_load %arg4[%get3A_533, %get3A_534] {strides = array<i32>} : memref<1x16xi32, #tpu.memory_space<vmem>>, vector<16xi32>,
    tpu.vector_store_idx %arg6[%iota3A, %get3A_535], %add3A_521 : memref<16x128xf32, #tpu.memory_space<vmem>>[vector<16xi32>, vector<16xi32>], vector<16xf32>,
    %run_scoped3A_536 = arith.constant 0 : i32
    "tpu.region"() ({
      %run_scoped3A_553 = tpu.sem_alloc : memref<!tpu.dma_semaphore, #tpu.memory_space<semaphore_mem>>
      %dma_start3A = arith.constant 0 : i32
      %dma_start3A_554 = tpu.memref_slice %arg5[%run_scoped3A_536, %dma_start3A] : memref<1x16xi32, #tpu.memory_space<vmem>> -> memref<1x16xi32, #tpu.memory_space<vmem>>
      %dma_start3A_555 = tpu.memref_squeeze %dma_start3A_554 : memref<1x16xi32, #tpu.memory_space<vmem>> -> memref<16xi32, #tpu.memory_space<vmem>>
      %dma_start3A_556 = arith.constant 0 : i32
      %dma_start3A_557 = arith.constant 0 : i32
      %dma_start3A_558 = tpu.memref_slice %arg7[%dma_start3A_556, %dma_start3A_557] : memref<68x128xf32, #tpu.memory_space<vmem_shared>> -> memref<68x128xf32, #tpu.memory_space<vmem_shared>>
      tpu.enqueue_indirect_dma source(%arg6 : memref<16x128xf32, #tpu.memory_space<vmem>>) target(%dma_start3A_558 : memref<68x128xf32, #tpu.memory_space<vmem_shared>>) offsets(%dma_start3A_555 : memref<16xi32, #tpu.memory_space<vmem>>) semaphore(%run_scoped3A_553 : memref<!tpu.dma_semaphore, #tpu.memory_space<semaphore_mem>>) {add = true}
      %dma_wait3A = arith.constant 0 : i32
      %dma_wait3A_559 = tpu.memref_slice %arg5[%run_scoped3A_536, %dma_wait3A] : memref<1x16xi32, #tpu.memory_space<vmem>> -> memref<1x16xi32, #tpu.memory_space<vmem>>
      %dma_wait3A_560 = tpu.memref_squeeze %dma_wait3A_559 : memref<1x16xi32, #tpu.memory_space<vmem>> -> memref<16xi32, #tpu.memory_space<vmem>>
      %dma_wait3A_561 = arith.constant 0 : i32
      %dma_wait3A_562 = arith.constant 0 : i32
      %dma_wait3A_563 = tpu.memref_slice %arg7[%dma_wait3A_561, %dma_wait3A_562] : memref<68x128xf32, #tpu.memory_space<vmem_shared>> -> memref<68x128xf32, #tpu.memory_space<vmem_shared>>
      tpu.wait_indirect_dma semaphore(%run_scoped3A_553 : memref<!tpu.dma_semaphore, #tpu.memory_space<semaphore_mem>>) src(%arg6 : memref<16x128xf32, #tpu.memory_space<vmem>>) dst(%dma_wait3A_563 : memref<68x128xf32, #tpu.memory_space<vmem_shared>>)
      tpu.yield
    }) : () -> ()
    tpu.vector_store_idx %arg6[%iota3A, %get3A_535], %broadcast_in_dim3A_523 : memref<16x128xf32, #tpu.memory_space<vmem>>[vector<16xi32>, vector<16xi32>], vector<16xf32>,
    %eq3A_537 = arith.constant 0 : i32
    %eq3A_538 = arith.cmpi eq, %arg1, %eq3A_537 : i32
    %convert_element_type3A_539 = arith.extui %eq3A_538 : i1 to i32
    %cond3A_540 = arith.constant 0 : i32
    %cond3A_541 = arith.cmpi ne, %convert_element_type3A_539, %cond3A_540 : i32
    scf.if %cond3A_541 {
      %mul3A_553 = arith.constant 17 : i32
      %mul3A_554 = arith.muli %arg0, %mul3A_553 : i32
      %add3A_555 = arith.constant 16 : i32
      %add3A_556 = arith.addi %mul3A_554, %add3A_555 : i32
      %mul3A_557 = arith.constant 16 : i32
      %mul3A_558 = arith.muli %add3A_556, %mul3A_557 : i32
      %run_scoped3A_559 = arith.constant 0 : i32
      %run_scoped3A_560 = arith.constant 0 : i32
      "tpu.region"() ({
        %run_scoped3A_570 = tpu.sem_alloc : memref<!tpu.dma_semaphore, #tpu.memory_space<semaphore_mem>>
        %dma_start3A = arith.constant 0 : i32
        %dma_start3A_571 = tpu.memref_slice %arg4[%run_scoped3A_560, %dma_start3A] : memref<1x16xi32, #tpu.memory_space<vmem>> -> memref<1x16xi32, #tpu.memory_space<vmem>>
        %dma_start3A_572 = tpu.memref_squeeze %dma_start3A_571 : memref<1x16xi32, #tpu.memory_space<vmem>> -> memref<16xi32, #tpu.memory_space<vmem>>
        %dma_start3A_573 = arith.constant 0 : i32
        %dma_start3A_574 = tpu.memref_slice %arg2[%run_scoped3A_559, %dma_start3A_573] : memref<2x544xi32, #tpu.memory_space<hbm>> -> memref<1x544xi32, #tpu.memory_space<hbm>>
        %dma_start3A_575 = tpu.memref_squeeze %dma_start3A_574 : memref<1x544xi32, #tpu.memory_space<hbm>> -> memref<544xi32, #tpu.memory_space<hbm>>
        %dma_start3A_576 = tpu.memref_slice %dma_start3A_575[%mul3A_558] : memref<544xi32, #tpu.memory_space<hbm>> -> memref<16xi32, #tpu.memory_space<hbm>>
        %dma_start3A_577 = arith.constant 0 : i32
        %dma_start3A_578 = tpu.memref_slice %arg4[%run_scoped3A_560, %dma_start3A_577] : memref<1x16xi32, #tpu.memory_space<vmem>> -> memref<1x16xi32, #tpu.memory_space<vmem>>
        %dma_start3A_579 = tpu.memref_squeeze %dma_start3A_578 : memref<1x16xi32, #tpu.memory_space<vmem>> -> memref<16xi32, #tpu.memory_space<vmem>>
        %dma_start3A_580 = arith.constant 0 : i32
        %dma_start3A_581 = tpu.memref_slice %arg2[%run_scoped3A_559, %dma_start3A_580] : memref<2x544xi32, #tpu.memory_space<hbm>> -> memref<1x544xi32, #tpu.memory_space<hbm>>
        %dma_start3A_582 = tpu.memref_squeeze %dma_start3A_581 : memref<1x544xi32, #tpu.memory_space<hbm>> -> memref<544xi32, #tpu.memory_space<hbm>>
        %dma_start3A_583 = tpu.memref_slice %dma_start3A_582[%mul3A_558] : memref<544xi32, #tpu.memory_space<hbm>> -> memref<16xi32, #tpu.memory_space<hbm>>
        tpu.enqueue_dma source(%dma_start3A_583 : memref<16xi32, #tpu.memory_space<hbm>>) target(%dma_start3A_579 : memref<16xi32, #tpu.memory_space<vmem>>) target_semaphore(%run_scoped3A_570 : memref<!tpu.dma_semaphore, #tpu.memory_space<semaphore_mem>>)
        %dma_wait3A = arith.constant 0 : i32
        %dma_wait3A_584 = tpu.memref_slice %arg4[%run_scoped3A_560, %dma_wait3A] : memref<1x16xi32, #tpu.memory_space<vmem>> -> memref<1x16xi32, #tpu.memory_space<vmem>>
        %dma_wait3A_585 = tpu.memref_squeeze %dma_wait3A_584 : memref<1x16xi32, #tpu.memory_space<vmem>> -> memref<16xi32, #tpu.memory_space<vmem>>
        %dma_wait3A_586 = arith.constant 0 : i32
        %dma_wait3A_587 = tpu.memref_slice %arg2[%run_scoped3A_559, %dma_wait3A_586] : memref<2x544xi32, #tpu.memory_space<hbm>> -> memref<1x544xi32, #tpu.memory_space<hbm>>
        %dma_wait3A_588 = tpu.memref_squeeze %dma_wait3A_587 : memref<1x544xi32, #tpu.memory_space<hbm>> -> memref<544xi32, #tpu.memory_space<hbm>>
        %dma_wait3A_589 = tpu.memref_slice %dma_wait3A_588[%mul3A_558] : memref<544xi32, #tpu.memory_space<hbm>> -> memref<16xi32, #tpu.memory_space<hbm>>
        %dma_wait3A_590 = arith.constant 0 : i32
        %dma_wait3A_591 = tpu.memref_slice %arg4[%run_scoped3A_560, %dma_wait3A_590] : memref<1x16xi32, #tpu.memory_space<vmem>> -> memref<1x16xi32, #tpu.memory_space<vmem>>
        %dma_wait3A_592 = tpu.memref_squeeze %dma_wait3A_591 : memref<1x16xi32, #tpu.memory_space<vmem>> -> memref<16xi32, #tpu.memory_space<vmem>>
        %dma_wait3A_593 = arith.constant 0 : i32
        %dma_wait3A_594 = tpu.memref_slice %arg2[%run_scoped3A_559, %dma_wait3A_593] : memref<2x544xi32, #tpu.memory_space<hbm>> -> memref<1x544xi32, #tpu.memory_space<hbm>>
        %dma_wait3A_595 = tpu.memref_squeeze %dma_wait3A_594 : memref<1x544xi32, #tpu.memory_space<hbm>> -> memref<544xi32, #tpu.memory_space<hbm>>
        %dma_wait3A_596 = tpu.memref_slice %dma_wait3A_595[%mul3A_558] : memref<544xi32, #tpu.memory_space<hbm>> -> memref<16xi32, #tpu.memory_space<hbm>>
        tpu.wait_dma2 semaphore(%run_scoped3A_570 : memref<!tpu.dma_semaphore, #tpu.memory_space<semaphore_mem>>) src(%dma_wait3A_596 : memref<16xi32, #tpu.memory_space<hbm>>) dst(%dma_wait3A_592 : memref<16xi32, #tpu.memory_space<vmem>>)
        tpu.yield
      }) : () -> ()
      %mul3A_561 = arith.constant 16 : i32
      %mul3A_562 = arith.muli %add3A_556, %mul3A_561 : i32
      %run_scoped3A_563 = arith.constant 1 : i32
      %run_scoped3A_564 = arith.constant 0 : i32
      "tpu.region"() ({
        %run_scoped3A_570 = tpu.sem_alloc : memref<!tpu.dma_semaphore, #tpu.memory_space<semaphore_mem>>
        %dma_start3A = arith.constant 0 : i32
        %dma_start3A_571 = tpu.memref_slice %arg5[%run_scoped3A_564, %dma_start3A] : memref<1x16xi32, #tpu.memory_space<vmem>> -> memref<1x16xi32, #tpu.memory_space<vmem>>
        %dma_start3A_572 = tpu.memref_squeeze %dma_start3A_571 : memref<1x16xi32, #tpu.memory_space<vmem>> -> memref<16xi32, #tpu.memory_space<vmem>>
        %dma_start3A_573 = arith.constant 0 : i32
        %dma_start3A_574 = tpu.memref_slice %arg2[%run_scoped3A_563, %dma_start3A_573] : memref<2x544xi32, #tpu.memory_space<hbm>> -> memref<1x544xi32, #tpu.memory_space<hbm>>
        %dma_start3A_575 = tpu.memref_squeeze %dma_start3A_574 : memref<1x544xi32, #tpu.memory_space<hbm>> -> memref<544xi32, #tpu.memory_space<hbm>>
        %dma_start3A_576 = tpu.memref_slice %dma_start3A_575[%mul3A_562] : memref<544xi32, #tpu.memory_space<hbm>> -> memref<16xi32, #tpu.memory_space<hbm>>
        %dma_start3A_577 = arith.constant 0 : i32
        %dma_start3A_578 = tpu.memref_slice %arg5[%run_scoped3A_564, %dma_start3A_577] : memref<1x16xi32, #tpu.memory_space<vmem>> -> memref<1x16xi32, #tpu.memory_space<vmem>>
        %dma_start3A_579 = tpu.memref_squeeze %dma_start3A_578 : memref<1x16xi32, #tpu.memory_space<vmem>> -> memref<16xi32, #tpu.memory_space<vmem>>
        %dma_start3A_580 = arith.constant 0 : i32
        %dma_start3A_581 = tpu.memref_slice %arg2[%run_scoped3A_563, %dma_start3A_580] : memref<2x544xi32, #tpu.memory_space<hbm>> -> memref<1x544xi32, #tpu.memory_space<hbm>>
        %dma_start3A_582 = tpu.memref_squeeze %dma_start3A_581 : memref<1x544xi32, #tpu.memory_space<hbm>> -> memref<544xi32, #tpu.memory_space<hbm>>
        %dma_start3A_583 = tpu.memref_slice %dma_start3A_582[%mul3A_562] : memref<544xi32, #tpu.memory_space<hbm>> -> memref<16xi32, #tpu.memory_space<hbm>>
        tpu.enqueue_dma source(%dma_start3A_583 : memref<16xi32, #tpu.memory_space<hbm>>) target(%dma_start3A_579 : memref<16xi32, #tpu.memory_space<vmem>>) target_semaphore(%run_scoped3A_570 : memref<!tpu.dma_semaphore, #tpu.memory_space<semaphore_mem>>)
        %dma_wait3A = arith.constant 0 : i32
        %dma_wait3A_584 = tpu.memref_slice %arg5[%run_scoped3A_564, %dma_wait3A] : memref<1x16xi32, #tpu.memory_space<vmem>> -> memref<1x16xi32, #tpu.memory_space<vmem>>
        %dma_wait3A_585 = tpu.memref_squeeze %dma_wait3A_584 : memref<1x16xi32, #tpu.memory_space<vmem>> -> memref<16xi32, #tpu.memory_space<vmem>>
        %dma_wait3A_586 = arith.constant 0 : i32
        %dma_wait3A_587 = tpu.memref_slice %arg2[%run_scoped3A_563, %dma_wait3A_586] : memref<2x544xi32, #tpu.memory_space<hbm>> -> memref<1x544xi32, #tpu.memory_space<hbm>>
        %dma_wait3A_588 = tpu.memref_squeeze %dma_wait3A_587 : memref<1x544xi32, #tpu.memory_space<hbm>> -> memref<544xi32, #tpu.memory_space<hbm>>
        %dma_wait3A_589 = tpu.memref_slice %dma_wait3A_588[%mul3A_562] : memref<544xi32, #tpu.memory_space<hbm>> -> memref<16xi32, #tpu.memory_space<hbm>>
        %dma_wait3A_590 = arith.constant 0 : i32
        %dma_wait3A_591 = tpu.memref_slice %arg5[%run_scoped3A_564, %dma_wait3A_590] : memref<1x16xi32, #tpu.memory_space<vmem>> -> memref<1x16xi32, #tpu.memory_space<vmem>>
        %dma_wait3A_592 = tpu.memref_squeeze %dma_wait3A_591 : memref<1x16xi32, #tpu.memory_space<vmem>> -> memref<16xi32, #tpu.memory_space<vmem>>
        %dma_wait3A_593 = arith.constant 0 : i32
        %dma_wait3A_594 = tpu.memref_slice %arg2[%run_scoped3A_563, %dma_wait3A_593] : memref<2x544xi32, #tpu.memory_space<hbm>> -> memref<1x544xi32, #tpu.memory_space<hbm>>
        %dma_wait3A_595 = tpu.memref_squeeze %dma_wait3A_594 : memref<1x544xi32, #tpu.memory_space<hbm>> -> memref<544xi32, #tpu.memory_space<hbm>>
        %dma_wait3A_596 = tpu.memref_slice %dma_wait3A_595[%mul3A_562] : memref<544xi32, #tpu.memory_space<hbm>> -> memref<16xi32, #tpu.memory_space<hbm>>
        tpu.wait_dma2 semaphore(%run_scoped3A_570 : memref<!tpu.dma_semaphore, #tpu.memory_space<semaphore_mem>>) src(%dma_wait3A_596 : memref<16xi32, #tpu.memory_space<hbm>>) dst(%dma_wait3A_592 : memref<16xi32, #tpu.memory_space<vmem>>)
        tpu.yield
      }) : () -> ()
      %get3A_565 = arith.constant 0 : i32
      %get3A_566 = arith.index_cast %get3A_565 : i32 to index
      %get3A_567 = arith.constant 0 : index
      %get3A_568 = tpu.vector_load %arg4[%get3A_566, %get3A_567] {strides = array<i32>} : memref<1x16xi32, #tpu.memory_space<vmem>>, vector<16xi32>,
      tpu.vector_store_idx %arg6[%iota3A, %get3A_568], %add3A_521 : memref<16x128xf32, #tpu.memory_space<vmem>>[vector<16xi32>, vector<16xi32>], vector<16xf32>,
      %run_scoped3A_569 = arith.constant 0 : i32
      "tpu.region"() ({
        %run_scoped3A_570 = tpu.sem_alloc : memref<!tpu.dma_semaphore, #tpu.memory_space<semaphore_mem>>
        %dma_start3A = arith.constant 0 : i32
        %dma_start3A_571 = tpu.memref_slice %arg5[%run_scoped3A_569, %dma_start3A] : memref<1x16xi32, #tpu.memory_space<vmem>> -> memref<1x16xi32, #tpu.memory_space<vmem>>
        %dma_start3A_572 = tpu.memref_squeeze %dma_start3A_571 : memref<1x16xi32, #tpu.memory_space<vmem>> -> memref<16xi32, #tpu.memory_space<vmem>>
        %dma_start3A_573 = arith.constant 0 : i32
        %dma_start3A_574 = arith.constant 0 : i32
        %dma_start3A_575 = tpu.memref_slice %arg7[%dma_start3A_573, %dma_start3A_574] : memref<68x128xf32, #tpu.memory_space<vmem_shared>> -> memref<68x128xf32, #tpu.memory_space<vmem_shared>>
        tpu.enqueue_indirect_dma source(%arg6 : memref<16x128xf32, #tpu.memory_space<vmem>>) target(%dma_start3A_575 : memref<68x128xf32, #tpu.memory_space<vmem_shared>>) offsets(%dma_start3A_572 : memref<16xi32, #tpu.memory_space<vmem>>) semaphore(%run_scoped3A_570 : memref<!tpu.dma_semaphore, #tpu.memory_space<semaphore_mem>>) {add = true}
        %dma_wait3A = arith.constant 0 : i32
        %dma_wait3A_576 = tpu.memref_slice %arg5[%run_scoped3A_569, %dma_wait3A] : memref<1x16xi32, #tpu.memory_space<vmem>> -> memref<1x16xi32, #tpu.memory_space<vmem>>
        %dma_wait3A_577 = tpu.memref_squeeze %dma_wait3A_576 : memref<1x16xi32, #tpu.memory_space<vmem>> -> memref<16xi32, #tpu.memory_space<vmem>>
        %dma_wait3A_578 = arith.constant 0 : i32
        %dma_wait3A_579 = arith.constant 0 : i32
        %dma_wait3A_580 = tpu.memref_slice %arg7[%dma_wait3A_578, %dma_wait3A_579] : memref<68x128xf32, #tpu.memory_space<vmem_shared>> -> memref<68x128xf32, #tpu.memory_space<vmem_shared>>
        tpu.wait_indirect_dma semaphore(%run_scoped3A_570 : memref<!tpu.dma_semaphore, #tpu.memory_space<semaphore_mem>>) src(%arg6 : memref<16x128xf32, #tpu.memory_space<vmem>>) dst(%dma_wait3A_580 : memref<68x128xf32, #tpu.memory_space<vmem_shared>>)
        tpu.yield
      }) : () -> ()
      tpu.vector_store_idx %arg6[%iota3A, %get3A_568], %broadcast_in_dim3A_523 : memref<16x128xf32, #tpu.memory_space<vmem>>[vector<16xi32>, vector<16xi32>], vector<16xf32>,
    } else {
    }
    %barrier3A_542 = arith.constant 0 : index
    tpu.barrier barrier_id(%barrier3A_542)
    %lt3A_543 = arith.constant 4 : i32
    %lt3A_544 = arith.cmpi slt, %arg1, %lt3A_543 : i32
    %convert_element_type3A_545 = arith.extui %lt3A_544 : i1 to i32
    %cond3A_546 = arith.constant 0 : i32
    %cond3A_547 = arith.cmpi ne, %convert_element_type3A_545, %cond3A_546 : i32
    scf.if %cond3A_547 {
      %mul3A_553 = arith.constant 16 : i32
      %mul3A_554 = arith.muli %arg1, %mul3A_553 : i32
      %mul3A_555 = arith.constant 16 : i32
      %mul3A_556 = arith.muli %arg1, %mul3A_555 : i32
      "tpu.region"() ({
        %run_scoped3A_557 = tpu.sem_alloc : memref<!tpu.dma_semaphore, #tpu.memory_space<semaphore_mem>>
        %dma_start3A = arith.constant 0 : i32
        %dma_start3A_558 = arith.constant 0 : i32
        %dma_start3A_559 = tpu.memref_slice %arg3[%arg0, %dma_start3A, %dma_start3A_558] : memref<2x68x128xf32, #tpu.memory_space<hbm>> -> memref<1x68x128xf32, #tpu.memory_space<hbm>>
        %dma_start3A_560 = tpu.memref_squeeze %dma_start3A_559 : memref<1x68x128xf32, #tpu.memory_space<hbm>> -> memref<68x128xf32, #tpu.memory_space<hbm>>
        %dma_start3A_561 = arith.constant 0 : i32
        %dma_start3A_562 = tpu.memref_slice %dma_start3A_560[%mul3A_556, %dma_start3A_561] : memref<68x128xf32, #tpu.memory_space<hbm>> -> memref<16x128xf32, #tpu.memory_space<hbm>>
        %dma_start3A_563 = arith.constant 0 : i32
        %dma_start3A_564 = tpu.memref_slice %arg7[%mul3A_554, %dma_start3A_563] : memref<68x128xf32, #tpu.memory_space<vmem_shared>> -> memref<16x128xf32, #tpu.memory_space<vmem_shared>>
        tpu.enqueue_dma source(%dma_start3A_564 : memref<16x128xf32, #tpu.memory_space<vmem_shared>>) target(%dma_start3A_562 : memref<16x128xf32, #tpu.memory_space<hbm>>) target_semaphore(%run_scoped3A_557 : memref<!tpu.dma_semaphore, #tpu.memory_space<semaphore_mem>>)
        %dma_wait3A = arith.constant 0 : i32
        %dma_wait3A_565 = arith.constant 0 : i32
        %dma_wait3A_566 = tpu.memref_slice %arg3[%arg0, %dma_wait3A, %dma_wait3A_565] : memref<2x68x128xf32, #tpu.memory_space<hbm>> -> memref<1x68x128xf32, #tpu.memory_space<hbm>>
        %dma_wait3A_567 = tpu.memref_squeeze %dma_wait3A_566 : memref<1x68x128xf32, #tpu.memory_space<hbm>> -> memref<68x128xf32, #tpu.memory_space<hbm>>
        %dma_wait3A_568 = arith.constant 0 : i32
        %dma_wait3A_569 = tpu.memref_slice %dma_wait3A_567[%mul3A_556, %dma_wait3A_568] : memref<68x128xf32, #tpu.memory_space<hbm>> -> memref<16x128xf32, #tpu.memory_space<hbm>>
        %dma_wait3A_570 = arith.constant 0 : i32
        %dma_wait3A_571 = tpu.memref_slice %arg7[%mul3A_554, %dma_wait3A_570] : memref<68x128xf32, #tpu.memory_space<vmem_shared>> -> memref<16x128xf32, #tpu.memory_space<vmem_shared>>
        tpu.wait_dma2 semaphore(%run_scoped3A_557 : memref<!tpu.dma_semaphore, #tpu.memory_space<semaphore_mem>>) src(%dma_wait3A_571 : memref<16x128xf32, #tpu.memory_space<vmem_shared>>) dst(%dma_wait3A_569 : memref<16x128xf32, #tpu.memory_space<hbm>>)
        tpu.yield
      }) : () -> ()
    } else {
    }
    %eq3A_548 = arith.constant 4 : i32
    %eq3A_549 = arith.cmpi eq, %arg1, %eq3A_548 : i32
    %convert_element_type3A_550 = arith.extui %eq3A_549 : i1 to i32
    %cond3A_551 = arith.constant 0 : i32
    %cond3A_552 = arith.cmpi ne, %convert_element_type3A_550, %cond3A_551 : i32
    scf.if %cond3A_552 {
      "tpu.region"() ({
        %run_scoped3A_553 = tpu.sem_alloc : memref<!tpu.dma_semaphore, #tpu.memory_space<semaphore_mem>>
        %dma_start3A = arith.constant 0 : i32
        %dma_start3A_554 = arith.constant 0 : i32
        %dma_start3A_555 = tpu.memref_slice %arg3[%arg0, %dma_start3A, %dma_start3A_554] : memref<2x68x128xf32, #tpu.memory_space<hbm>> -> memref<1x68x128xf32, #tpu.memory_space<hbm>>
        %dma_start3A_556 = tpu.memref_squeeze %dma_start3A_555 : memref<1x68x128xf32, #tpu.memory_space<hbm>> -> memref<68x128xf32, #tpu.memory_space<hbm>>
        %dma_start3A_557 = arith.constant 64 : i32
        %dma_start3A_558 = arith.constant 0 : i32
        %dma_start3A_559 = tpu.memref_slice %dma_start3A_556[%dma_start3A_557, %dma_start3A_558] : memref<68x128xf32, #tpu.memory_space<hbm>> -> memref<4x128xf32, #tpu.memory_space<hbm>>
        %dma_start3A_560 = arith.constant 64 : i32
        %dma_start3A_561 = arith.constant 0 : i32
        %dma_start3A_562 = tpu.memref_slice %arg7[%dma_start3A_560, %dma_start3A_561] : memref<68x128xf32, #tpu.memory_space<vmem_shared>> -> memref<4x128xf32, #tpu.memory_space<vmem_shared>>
        tpu.enqueue_dma source(%dma_start3A_562 : memref<4x128xf32, #tpu.memory_space<vmem_shared>>) target(%dma_start3A_559 : memref<4x128xf32, #tpu.memory_space<hbm>>) target_semaphore(%run_scoped3A_553 : memref<!tpu.dma_semaphore, #tpu.memory_space<semaphore_mem>>)
        %dma_wait3A = arith.constant 0 : i32
        %dma_wait3A_563 = arith.constant 0 : i32
        %dma_wait3A_564 = tpu.memref_slice %arg3[%arg0, %dma_wait3A, %dma_wait3A_563] : memref<2x68x128xf32, #tpu.memory_space<hbm>> -> memref<1x68x128xf32, #tpu.memory_space<hbm>>
        %dma_wait3A_565 = tpu.memref_squeeze %dma_wait3A_564 : memref<1x68x128xf32, #tpu.memory_space<hbm>> -> memref<68x128xf32, #tpu.memory_space<hbm>>
        %dma_wait3A_566 = arith.constant 64 : i32
        %dma_wait3A_567 = arith.constant 0 : i32
        %dma_wait3A_568 = tpu.memref_slice %dma_wait3A_565[%dma_wait3A_566, %dma_wait3A_567] : memref<68x128xf32, #tpu.memory_space<hbm>> -> memref<4x128xf32, #tpu.memory_space<hbm>>
        %dma_wait3A_569 = arith.constant 64 : i32
        %dma_wait3A_570 = arith.constant 0 : i32
        %dma_wait3A_571 = tpu.memref_slice %arg7[%dma_wait3A_569, %dma_wait3A_570] : memref<68x128xf32, #tpu.memory_space<vmem_shared>> -> memref<4x128xf32, #tpu.memory_space<vmem_shared>>
        tpu.wait_dma2 semaphore(%run_scoped3A_553 : memref<!tpu.dma_semaphore, #tpu.memory_space<semaphore_mem>>) src(%dma_wait3A_571 : memref<4x128xf32, #tpu.memory_space<vmem_shared>>) dst(%dma_wait3A_568 : memref<4x128xf32, #tpu.memory_space<hbm>>)
        tpu.yield
      }) : () -> ()
    } else {
    }
    return
  }
}

module attributes {stable_mosaic.version = 14 : i64} {
  func.func @_pool_body(%arg0: memref<1x68x68xf32, #tpu.memory_space<vmem>>, %arg1: memref<1x68x16xf32, #tpu.memory_space<vmem>>, %arg2: memref<68x16xf32, #tpu.memory_space<vmem>>, %arg3: memref<1x16x16xf32, #tpu.memory_space<vmem>>, %arg4: memref<1x2xf32, #tpu.memory_space<vmem>>) attributes {dimension_semantics = [], scalar_prefetch = 0 : i64, scratch_operands = 0 : i64, tpu.core_type = #tpu.core_type<tc>} {
    %get3A = arith.constant 0 : index
    %get3A_0 = arith.constant 0 : index
    %get3A_1 = arith.constant 0 : index
    %get3A_2 = vector.load %arg1[%get3A, %get3A_0, %get3A_1] : memref<1x68x16xf32, #tpu.memory_space<vmem>>, vector<1x68x16xf32>
    %squeeze3A = vector.shape_cast %get3A_2 : vector<1x68x16xf32> to vector<68x16xf32>
    %reduce_max3A = arith.constant dense<0xFF800000> : vector<68xf32>
    %reduce_max3A_3 = vector.multi_reduction <maximumf>, %squeeze3A, %reduce_max3A [1] : vector<68x16xf32> to vector<68xf32>
    %broadcast_in_dim3A = vector.shape_cast %reduce_max3A_3 : vector<68xf32> to vector<68x1xf32>
    %sub3A = vector.broadcast %broadcast_in_dim3A : vector<68x1xf32> to vector<68x16xf32>
    %sub3A_4 = arith.subf %squeeze3A, %sub3A : vector<68x16xf32>
    %exp3A = math.exp %sub3A_4 : vector<68x16xf32>
    %reduce_sum3A = arith.constant dense<0.000000e+00> : vector<68xf32>
    %reduce_sum3A_5 = vector.multi_reduction <add>, %exp3A, %reduce_sum3A [1] : vector<68x16xf32> to vector<68xf32>
    %broadcast_in_dim3A_6 = vector.shape_cast %reduce_sum3A_5 : vector<68xf32> to vector<68x1xf32>
    %div3A = vector.broadcast %broadcast_in_dim3A_6 : vector<68x1xf32> to vector<68x16xf32>
    %div3A_7 = arith.divf %exp3A, %div3A : vector<68x16xf32>
    %swap3A = arith.constant 0 : index
    %swap3A_8 = arith.constant 0 : index
    %swap3A_9 = vector.load %arg2[%swap3A, %swap3A_8] : memref<68x16xf32, #tpu.memory_space<vmem>>, vector<68x16xf32>
    tpu.vector_store %arg2[%swap3A, %swap3A_8], %div3A_7 {strides = array<i32>} : memref<68x16xf32, #tpu.memory_space<vmem>>, vector<68x16xf32>,
    %get3A_10 = arith.constant 0 : index
    %get3A_11 = arith.constant 0 : index
    %get3A_12 = arith.constant 0 : index
    %get3A_13 = vector.load %arg0[%get3A_10, %get3A_11, %get3A_12] : memref<1x68x68xf32, #tpu.memory_space<vmem>>, vector<1x68x68xf32>
    %squeeze3A_14 = vector.shape_cast %get3A_13 : vector<1x68x68xf32> to vector<68x68xf32>
    %dot_general3A = arith.constant dense<0.000000e+00> : vector<16x68xf32>
    %dot_general3A_15 = tpu.matmul %div3A_7, %squeeze3A_14, %dot_general3A {dimension_numbers = #tpu.dot_dimension_numbers<[0], [0], [1], [1], [0, 1, 1, 1], [], []>, transpose_lhs_hint = false} : vector<68x16xf32>, vector<68x68xf32>, vector<16x68xf32> -> vector<16x68xf32>
    %dot_general3A_16 = arith.constant dense<0.000000e+00> : vector<16x16xf32>
    %dot_general3A_17 = tpu.matmul %dot_general3A_15, %div3A_7, %dot_general3A_16 {dimension_numbers = #tpu.dot_dimension_numbers<[1], [0], [0], [1], [0, 0, 1, 1], [], []>, transpose_lhs_hint = false} : vector<16x68xf32>, vector<68x16xf32>, vector<16x16xf32> -> vector<16x16xf32>
    %reshape3A = vector.shape_cast %dot_general3A_17 : vector<16x16xf32> to vector<1x16x16xf32>
    %swap3A_18 = arith.constant 0 : index
    %swap3A_19 = arith.constant 0 : index
    %swap3A_20 = arith.constant 0 : index
    %swap3A_21 = vector.load %arg3[%swap3A_18, %swap3A_19, %swap3A_20] : memref<1x16x16xf32, #tpu.memory_space<vmem>>, vector<1x16x16xf32>
    tpu.vector_store %arg3[%swap3A_18, %swap3A_19, %swap3A_20], %reshape3A {strides = array<i32>} : memref<1x16x16xf32, #tpu.memory_space<vmem>>, vector<1x16x16xf32>,
    %dot_general3A_22 = arith.constant dense<0.000000e+00> : vector<68x68xf32>
    %dot_general3A_23 = tpu.matmul %div3A_7, %div3A_7, %dot_general3A_22 {dimension_numbers = #tpu.dot_dimension_numbers<[1], [1], [0], [0], [0, 0, 1, 0], [], []>, transpose_lhs_hint = false} : vector<68x16xf32>, vector<68x16xf32>, vector<68x68xf32> -> vector<68x68xf32>
    %sub3A_24 = arith.subf %squeeze3A_14, %dot_general3A_23 : vector<68x68xf32>
    %mul3A = arith.mulf %sub3A_24, %sub3A_24 : vector<68x68xf32>
    %reduce_sum3A_25 = vector.shape_cast %mul3A : vector<68x68xf32> to vector<1x68x68xf32>
    %reduce_sum3A_26 = arith.constant dense<0.000000e+00> : vector<1xf32>
    %reduce_sum3A_27 = vector.multi_reduction <add>, %reduce_sum3A_25, %reduce_sum3A_26 [1, 2] : vector<1x68x68xf32> to vector<1xf32>
    %reduce_sum3A_28 = vector.shape_cast %reduce_sum3A_27 : vector<1xf32> to vector<1x1x1xf32>
    %reduce_sum3A_29 = vector.extract %reduce_sum3A_28[0, 0, 0] : f32 from vector<1x1x1xf32>
    %broadcast_in_dim3A_30 = vector.broadcast %reduce_sum3A_29 : f32 to vector<1x1xf32>
    %sqrt3A = math.sqrt %broadcast_in_dim3A_30 : vector<1x1xf32>
    %div3A_31 = arith.constant 4.624000e+03 : f32
    %div3A_32 = vector.broadcast %div3A_31 : f32 to vector<1x1xf32>
    %div3A_33 = arith.divf %sqrt3A, %div3A_32 : vector<1x1xf32>
    %add3A = arith.constant 1.000000e-15 : f32
    %add3A_34 = vector.broadcast %add3A : f32 to vector<68x16xf32>
    %add3A_35 = arith.addf %div3A_7, %add3A_34 : vector<68x16xf32>
    %log3A = math.log %add3A_35 : vector<68x16xf32>
    %mul3A_36 = arith.mulf %div3A_7, %log3A : vector<68x16xf32>
    %reduce_sum3A_37 = vector.shape_cast %mul3A_36 : vector<68x16xf32> to vector<1x68x16xf32>
    %reduce_sum3A_38 = arith.constant dense<0.000000e+00> : vector<1xf32>
    %reduce_sum3A_39 = vector.multi_reduction <add>, %reduce_sum3A_37, %reduce_sum3A_38 [1, 2] : vector<1x68x16xf32> to vector<1xf32>
    %reduce_sum3A_40 = vector.shape_cast %reduce_sum3A_39 : vector<1xf32> to vector<1x1x1xf32>
    %reduce_sum3A_41 = vector.extract %reduce_sum3A_40[0, 0, 0] : f32 from vector<1x1x1xf32>
    %broadcast_in_dim3A_42 = vector.broadcast %reduce_sum3A_41 : f32 to vector<1x1xf32>
    %neg3A = arith.constant 0.000000e+00 : f32
    %neg3A_43 = vector.broadcast %neg3A : f32 to vector<1x1xf32>
    %neg3A_44 = arith.subf %neg3A_43, %broadcast_in_dim3A_42 : vector<1x1xf32>
    %div3A_45 = arith.constant 6.800000e+01 : f32
    %div3A_46 = vector.broadcast %div3A_45 : f32 to vector<1x1xf32>
    %div3A_47 = arith.divf %neg3A_44, %div3A_46 : vector<1x1xf32>
    %concatenate3A = tpu.concatenate %div3A_33, %div3A_47 in 1 : vector<1x1xf32>, vector<1x1xf32> -> vector<1x2xf32>
    %swap3A_48 = arith.constant 0 : index
    %swap3A_49 = arith.constant 0 : index
    %swap3A_50 = vector.load %arg4[%swap3A_48, %swap3A_49] : memref<1x2xf32, #tpu.memory_space<vmem>>, vector<1x2xf32>
    tpu.vector_store %arg4[%swap3A_48, %swap3A_49], %concatenate3A {strides = array<i32>} : memref<1x2xf32, #tpu.memory_space<vmem>>, vector<1x2xf32>,
    return
  }
}

module attributes {stable_mosaic.version = 14 : i64} {
  func.func @_conv_body(%arg0: memref<2x68x128xf32, #tpu.memory_space<vmem>>, %arg1: memref<68x2xf32, #tpu.memory_space<vmem>>, %arg2: memref<68x16xf32, #tpu.memory_space<vmem>>, %arg3: memref<128x2xf32, #tpu.memory_space<vmem>>, %arg4: memref<128xf32, #tpu.memory_space<vmem>>, %arg5: memref<128x2xf32, #tpu.memory_space<vmem>>, %arg6: memref<128x128xf32, #tpu.memory_space<vmem>>, %arg7: memref<128xf32, #tpu.memory_space<vmem>>, %arg8: memref<128x128xf32, #tpu.memory_space<vmem>>, %arg9: memref<128x128xf32, #tpu.memory_space<vmem>>, %arg10: memref<128xf32, #tpu.memory_space<vmem>>, %arg11: memref<128x128xf32, #tpu.memory_space<vmem>>, %arg12: memref<1x16x128xf32, #tpu.memory_space<vmem>>) attributes {dimension_semantics = [], scalar_prefetch = 0 : i64, scratch_operands = 0 : i64, tpu.core_type = #tpu.core_type<tc>} {
    %get3A = arith.constant 0 : index
    %get3A_0 = arith.constant 0 : index
    %get3A_1 = arith.constant 0 : index
    %get3A_2 = vector.load %arg0[%get3A, %get3A_0, %get3A_1] : memref<2x68x128xf32, #tpu.memory_space<vmem>>, vector<2x68x128xf32>
    %slice3A = vector.extract_strided_slice %get3A_2 {offsets = [0, 0, 0], sizes = [1, 68, 128], strides = [1, 1, 1]} : vector<2x68x128xf32> to vector<1x68x128xf32>
    %squeeze3A = vector.shape_cast %slice3A : vector<1x68x128xf32> to vector<68x128xf32>
    %slice3A_3 = vector.extract_strided_slice %get3A_2 {offsets = [1, 0, 0], sizes = [1, 68, 128], strides = [1, 1, 1]} : vector<2x68x128xf32> to vector<1x68x128xf32>
    %squeeze3A_4 = vector.shape_cast %slice3A_3 : vector<1x68x128xf32> to vector<68x128xf32>
    %add3A = arith.addf %squeeze3A, %squeeze3A_4 : vector<68x128xf32>
    %slice3A_5 = vector.extract_strided_slice %add3A {offsets = [0, 0], sizes = [68, 68], strides = [1, 1]} : vector<68x128xf32> to vector<68x68xf32>
    %get3A_6 = arith.constant 0 : index
    %get3A_7 = arith.constant 0 : index
    %get3A_8 = vector.load %arg1[%get3A_6, %get3A_7] : memref<68x2xf32, #tpu.memory_space<vmem>>, vector<68x2xf32>
    %get3A_9 = arith.constant 0 : index
    %get3A_10 = arith.constant 0 : index
    %get3A_11 = vector.load %arg3[%get3A_9, %get3A_10] : memref<128x2xf32, #tpu.memory_space<vmem>>, vector<128x2xf32>
    %get3A_12 = arith.constant 0 : index
    %get3A_13 = vector.load %arg4[%get3A_12] : memref<128xf32, #tpu.memory_space<vmem>>, vector<128xf32>
    %get3A_14 = arith.constant 0 : index
    %get3A_15 = arith.constant 0 : index
    %get3A_16 = vector.load %arg5[%get3A_14, %get3A_15] : memref<128x2xf32, #tpu.memory_space<vmem>>, vector<128x2xf32>
    %dot_general3A = arith.constant dense<0.000000e+00> : vector<68x128xf32>
    %dot_general3A_17 = tpu.matmul %get3A_8, %get3A_11, %dot_general3A {dimension_numbers = #tpu.dot_dimension_numbers<[1], [1], [0], [0], [0, 0, 1, 0], [], []>, transpose_lhs_hint = false} : vector<68x2xf32>, vector<128x2xf32>, vector<68x128xf32> -> vector<68x128xf32>
    %dot_general3A_18 = arith.constant dense<0.000000e+00> : vector<68x128xf32>
    %dot_general3A_19 = tpu.matmul %slice3A_5, %dot_general3A_17, %dot_general3A_18 {dimension_numbers = #tpu.dot_dimension_numbers<[1], [0], [0], [1], [0, 0, 1, 1], [], []>, transpose_lhs_hint = false} : vector<68x68xf32>, vector<68x128xf32>, vector<68x128xf32> -> vector<68x128xf32>
    %dot_general3A_20 = arith.constant dense<0.000000e+00> : vector<68x128xf32>
    %dot_general3A_21 = tpu.matmul %get3A_8, %get3A_16, %dot_general3A_20 {dimension_numbers = #tpu.dot_dimension_numbers<[1], [1], [0], [0], [0, 0, 1, 0], [], []>, transpose_lhs_hint = false} : vector<68x2xf32>, vector<128x2xf32>, vector<68x128xf32> -> vector<68x128xf32>
    %add3A_22 = arith.addf %dot_general3A_19, %dot_general3A_21 : vector<68x128xf32>
    %broadcast_in_dim3A = vector.shape_cast %get3A_13 : vector<128xf32> to vector<1x128xf32>
    %add3A_23 = vector.broadcast %broadcast_in_dim3A : vector<1x128xf32> to vector<68x128xf32>
    %add3A_24 = arith.addf %add3A_22, %add3A_23 : vector<68x128xf32>
    %max3A = arith.constant 0.000000e+00 : f32
    %max3A_25 = vector.broadcast %max3A : f32 to vector<68x128xf32>
    %max3A_26 = arith.maximumf %add3A_24, %max3A_25 : vector<68x128xf32>
    %get3A_27 = arith.constant 0 : index
    %get3A_28 = arith.constant 0 : index
    %get3A_29 = vector.load %arg6[%get3A_27, %get3A_28] : memref<128x128xf32, #tpu.memory_space<vmem>>, vector<128x128xf32>
    %get3A_30 = arith.constant 0 : index
    %get3A_31 = vector.load %arg7[%get3A_30] : memref<128xf32, #tpu.memory_space<vmem>>, vector<128xf32>
    %get3A_32 = arith.constant 0 : index
    %get3A_33 = arith.constant 0 : index
    %get3A_34 = vector.load %arg8[%get3A_32, %get3A_33] : memref<128x128xf32, #tpu.memory_space<vmem>>, vector<128x128xf32>
    %dot_general3A_35 = arith.constant dense<0.000000e+00> : vector<68x128xf32>
    %dot_general3A_36 = tpu.matmul %max3A_26, %get3A_29, %dot_general3A_35 {dimension_numbers = #tpu.dot_dimension_numbers<[1], [1], [0], [0], [0, 0, 1, 0], [], []>, transpose_lhs_hint = false} : vector<68x128xf32>, vector<128x128xf32>, vector<68x128xf32> -> vector<68x128xf32>
    %dot_general3A_37 = arith.constant dense<0.000000e+00> : vector<68x128xf32>
    %dot_general3A_38 = tpu.matmul %slice3A_5, %dot_general3A_36, %dot_general3A_37 {dimension_numbers = #tpu.dot_dimension_numbers<[1], [0], [0], [1], [0, 0, 1, 1], [], []>, transpose_lhs_hint = false} : vector<68x68xf32>, vector<68x128xf32>, vector<68x128xf32> -> vector<68x128xf32>
    %dot_general3A_39 = arith.constant dense<0.000000e+00> : vector<68x128xf32>
    %dot_general3A_40 = tpu.matmul %max3A_26, %get3A_34, %dot_general3A_39 {dimension_numbers = #tpu.dot_dimension_numbers<[1], [1], [0], [0], [0, 0, 1, 0], [], []>, transpose_lhs_hint = false} : vector<68x128xf32>, vector<128x128xf32>, vector<68x128xf32> -> vector<68x128xf32>
    %add3A_41 = arith.addf %dot_general3A_38, %dot_general3A_40 : vector<68x128xf32>
    %broadcast_in_dim3A_42 = vector.shape_cast %get3A_31 : vector<128xf32> to vector<1x128xf32>
    %add3A_43 = vector.broadcast %broadcast_in_dim3A_42 : vector<1x128xf32> to vector<68x128xf32>
    %add3A_44 = arith.addf %add3A_41, %add3A_43 : vector<68x128xf32>
    %max3A_45 = arith.constant 0.000000e+00 : f32
    %max3A_46 = vector.broadcast %max3A_45 : f32 to vector<68x128xf32>
    %max3A_47 = arith.maximumf %add3A_44, %max3A_46 : vector<68x128xf32>
    %get3A_48 = arith.constant 0 : index
    %get3A_49 = arith.constant 0 : index
    %get3A_50 = vector.load %arg9[%get3A_48, %get3A_49] : memref<128x128xf32, #tpu.memory_space<vmem>>, vector<128x128xf32>
    %get3A_51 = arith.constant 0 : index
    %get3A_52 = vector.load %arg10[%get3A_51] : memref<128xf32, #tpu.memory_space<vmem>>, vector<128xf32>
    %get3A_53 = arith.constant 0 : index
    %get3A_54 = arith.constant 0 : index
    %get3A_55 = vector.load %arg11[%get3A_53, %get3A_54] : memref<128x128xf32, #tpu.memory_space<vmem>>, vector<128x128xf32>
    %dot_general3A_56 = arith.constant dense<0.000000e+00> : vector<68x128xf32>
    %dot_general3A_57 = tpu.matmul %max3A_47, %get3A_50, %dot_general3A_56 {dimension_numbers = #tpu.dot_dimension_numbers<[1], [1], [0], [0], [0, 0, 1, 0], [], []>, transpose_lhs_hint = false} : vector<68x128xf32>, vector<128x128xf32>, vector<68x128xf32> -> vector<68x128xf32>
    %dot_general3A_58 = arith.constant dense<0.000000e+00> : vector<68x128xf32>
    %dot_general3A_59 = tpu.matmul %slice3A_5, %dot_general3A_57, %dot_general3A_58 {dimension_numbers = #tpu.dot_dimension_numbers<[1], [0], [0], [1], [0, 0, 1, 1], [], []>, transpose_lhs_hint = false} : vector<68x68xf32>, vector<68x128xf32>, vector<68x128xf32> -> vector<68x128xf32>
    %dot_general3A_60 = arith.constant dense<0.000000e+00> : vector<68x128xf32>
    %dot_general3A_61 = tpu.matmul %max3A_47, %get3A_55, %dot_general3A_60 {dimension_numbers = #tpu.dot_dimension_numbers<[1], [1], [0], [0], [0, 0, 1, 0], [], []>, transpose_lhs_hint = false} : vector<68x128xf32>, vector<128x128xf32>, vector<68x128xf32> -> vector<68x128xf32>
    %add3A_62 = arith.addf %dot_general3A_59, %dot_general3A_61 : vector<68x128xf32>
    %broadcast_in_dim3A_63 = vector.shape_cast %get3A_52 : vector<128xf32> to vector<1x128xf32>
    %add3A_64 = vector.broadcast %broadcast_in_dim3A_63 : vector<1x128xf32> to vector<68x128xf32>
    %add3A_65 = arith.addf %add3A_62, %add3A_64 : vector<68x128xf32>
    %max3A_66 = arith.constant 0.000000e+00 : f32
    %max3A_67 = vector.broadcast %max3A_66 : f32 to vector<68x128xf32>
    %max3A_68 = arith.maximumf %add3A_65, %max3A_67 : vector<68x128xf32>
    %get3A_69 = arith.constant 0 : index
    %get3A_70 = arith.constant 0 : index
    %get3A_71 = vector.load %arg2[%get3A_69, %get3A_70] : memref<68x16xf32, #tpu.memory_space<vmem>>, vector<68x16xf32>
    %dot_general3A_72 = arith.constant dense<0.000000e+00> : vector<16x128xf32>
    %dot_general3A_73 = tpu.matmul %get3A_71, %max3A_68, %dot_general3A_72 {dimension_numbers = #tpu.dot_dimension_numbers<[0], [0], [1], [1], [0, 1, 1, 1], [], []>, transpose_lhs_hint = false} : vector<68x16xf32>, vector<68x128xf32>, vector<16x128xf32> -> vector<16x128xf32>
    %reshape3A = vector.shape_cast %dot_general3A_73 : vector<16x128xf32> to vector<1x16x128xf32>
    %swap3A = arith.constant 0 : index
    %swap3A_74 = arith.constant 0 : index
    %swap3A_75 = arith.constant 0 : index
    %swap3A_76 = vector.load %arg12[%swap3A, %swap3A_74, %swap3A_75] : memref<1x16x128xf32, #tpu.memory_space<vmem>>, vector<1x16x128xf32>
    tpu.vector_store %arg12[%swap3A, %swap3A_74, %swap3A_75], %reshape3A {strides = array<i32>} : memref<1x16x128xf32, #tpu.memory_space<vmem>>, vector<1x16x128xf32>,
    return
  }
}

</mosaic_0001>

<sc_bundles>
// kernel: kernel.5.cloned.1.call-start
scs
__scs_entry_jumppad:
0x0: {  	(pc) =	sbr.rel $0x88, $3  }
0x1: {  	(tag) =	ssettag $0x0;
	lr =	simm.s32 $0x1  }
0x2: {  	[smem:$0x3F93] =	sst lr;
	_ =	strace $0xD0000000  }
0x3: {  	_ = 	snop  }
0x4: {  	_ = 	snop  }
0x5: {  	_ = 	snop  }
0x6: {  	_ = 	snop  }
0x7: {  	_ = 	snop  }
__scs_overlays_trampoline_lowered:
0x8: {  	[smem:$0x3FA2] =	sst s0  }
0x9: {  	[smem:$0x3FA3] =	sst s1  }
0xa: {  	[smem:$0x3FA4] =	sst s2  }
0xb: {  	[smem:$0x3FA5] =	sst s3  }
0xc: {  	[smem:$0x3FA6] =	sst s4  }
0xd: {  	[smem:$0x3FA7] =	sst s5  }
0xe: {  	[smem:$0x3FA8] =	sst s6  }
0xf: {  	[smem:$0x3FA9] =	sst s7  }
0x10: {  	[smem:$0x3FAA] =	sst s8  }
0x11: {  	[smem:$0x3FAB] =	sst s9;
	s0 =	simm.s32 @!p0 $0x0  }
0x12: {  	s1 =	sld [smem:$0x3F91];
	s0 =	simm.s32 @p0 $0x1  }
0x13: {  	[smem:$0x3FAC] =	sst s0;
	s0 =	simm.s32 @!p1 $0x0  }
0x14: {  	s2 =	sld [smem:$0x3F90];
	s0 =	simm.s32 @p1 $0x1  }
0x15: {  	[smem:$0x3FAD] =	sst s0;
	s0 =	simm.s32 @!p2 $0x0  }
0x16: {  	s3 =	sld [smem:$0x3FDB];
	s0 =	simm.s32 @p2 $0x1  }
0x17: {  	s4 =	simm.s32 $0x1BF5;
	[smem:$0x3FAF] =	sst s0  }
0x18: {  	s0 =	sld [smem:$0x3F92];
	_ =	swait.ge [sflag:s4], $0x0  }
0x19: {  	s7 =	sld [smem:$0x3F93]  }
0x1a: {  	s8 =	sadd.s32 $0xFFFFE003, lr  }
0x1b: {  	s9 =	sadd.s32 $0xFFFFFEF7, lr;
	s5 =	simm.s32 $0xFFFFFFFF;
	p2 =	slt.u32 s8, $0xFFFFF086  }
0x1c: {  	p1 =	slt.u32 s9, $0xF7A;
	s5 =	simm.s32 @!p2 $0x0  }
0x1d: {  	s5 =	simm.s32 @p1 $0x1;
	p0 =	seq.s32 s7, s2  }
0x1e: {  	s7 =	smul.u32 @!p0 $0xF7A, s2;
	p2 =	seq.s32 @!p0 s5, $0x0  }
0x1f: {  	s9 =	smul.u32 $0xF7A, s1;
	s8 =	simm.s32 @!p0 $0x1BF5;
	p2 =	por !p2, p0  }
0x20: {  	[sflag:s8] =	ssyncset.s32 @!p0 $0xFFFFF086;
	s6 =	sadd.s32 @!p0 s3, s7;
	s7 =	simm.s32 @!p0 $0x108  }
0x21: {  	s3 =	sadd.s32 s3, s9;
	s6 =	sadd.s32 @!p0 $0x88, s6;
	s7 =	simm.s32 @p2 $0x1082  }
0x22: {  	[simem:s7], [sflag:s8] =	dma.local @!p0 [hbm:s6], $0xF7A  }
0x23: {  	s9 =	sor.u32 $0xD0000000, s2;
	s6 =	simm.s32 $0x108;
	_ =	swait.ge @!p0 [sflag:s8], $0x0  }
0x24: {  	s3 =	sadd.s32 $0x88, s3;
	s6 =	simm.s32 @!p1 $0x1082;
	[sflag:s4] =	ssyncset.s32 $0xFFFFF086  }
0x25: {  	[simem:s6], [sflag:s4] =	dma.local [hbm:s3], $0xF7A  }
0x26: {  	[smem:$0x3F93] =	sst s1;
	(tag) =	ssettag s2;
	_ =	strace s9  }
0x27: {  	s1 =	sld [smem:$0x3FA3]  }
0x28: {  	s2 =	sld [smem:$0x3FA4]  }
0x29: {  	s4 =	sld [smem:$0x3FA6]  }
0x2a: {  	p0 =	seq.s32 s5, $0x0;
	s5 =	sld [smem:$0x3FA7]  }
0x2b: {  	s6 =	sld [smem:$0x3FA8]  }
0x2c: {  	s7 =	sld [smem:$0x3FA9]  }
0x2d: {  	s3 =	simm.s32 $0x108;
	s8 =	sld [smem:$0x3FAA]  }
0x2e: {  	s3 =	simm.s32 @!p0 $0x1082;
	s9 =	sld [smem:$0x3FAB]  }
0x2f: {  	lr =	sadd.s32 s0, s3;
	s0 =	sld [smem:$0x3FA2]  }
0x30: {  	s3 =	sld [smem:$0x3FA5]  }
0x31: {  	[smem:$0x3FAE] =	sst s10  }
0x32: {  	s10 =	sld [smem:$0x3FAC];
	_ =	sdelay $0x3  }
0x33: {  	p0 =	seq.s32 s10, $0x1;
	s10 =	sld [smem:$0x3FAE];
	_ =	sdelay $0x3  }
0x34: {  	[smem:$0x3FAE] =	sst s10  }
0x35: {  	s10 =	sld [smem:$0x3FAD];
	_ =	sdelay $0x3  }
0x36: {  	p1 =	seq.s32 s10, $0x1;
	s10 =	sld [smem:$0x3FAE];
	_ =	sdelay $0x3  }
0x37: {  	[smem:$0x3FAE] =	sst s10  }
0x38: {  	s10 =	sld [smem:$0x3FAF]  }
0x39: {  	_ = 	snop;
	(pc) =	sbr.ind lr, $3  }
0x3a: {  	_ = 	snop  }
0x3b: {  	_ = 	snop  }
0x3c: {  	p2 =	seq.s32 s10, $0x1;
	s10 =	sld [smem:$0x3FAE]  }
0x3d: {  	_ =	shalt  }
0x3e: {  	_ =	shalt  }
0x3f: {  	_ =	shalt  }
0x40: {  	_ =	shalt  }
0x41: {  	_ =	shalt  }
0x42: {  	_ =	shalt  }
0x43: {  	_ =	shalt  }
0x44: {  	_ =	shalt  }
0x45: {  	_ =	shalt  }
0x46: {  	_ =	shalt  }
0x47: {  	_ =	shalt  }
0x48: {  	_ =	shalt  }
0x49: {  	_ =	shalt  }
0x4a: {  	_ =	shalt  }
0x4b: {  	_ =	shalt  }
0x4c: {  	_ =	shalt  }
0x4d: {  	_ =	shalt  }
0x4e: {  	_ =	shalt  }
0x4f: {  	_ =	shalt  }
0x50: {  	_ =	shalt  }
0x51: {  	_ =	shalt  }
0x52: {  	_ =	shalt  }
0x53: {  	_ =	shalt  }
0x54: {  	_ =	shalt  }
0x55: {  	_ =	shalt  }
0x56: {  	_ =	shalt  }
0x57: {  	_ =	shalt  }
0x58: {  	_ =	shalt  }
0x59: {  	_ =	shalt  }
0x5a: {  	_ =	shalt  }
0x5b: {  	_ =	shalt  }
0x5c: {  	_ =	shalt  }
0x5d: {  	_ =	shalt  }
0x5e: {  	_ =	shalt  }
0x5f: {  	_ =	shalt  }
0x60: {  	_ =	shalt  }
0x61: {  	_ =	shalt  }
0x62: {  	_ =	shalt  }
0x63: {  	_ =	shalt  }
0x64: {  	_ =	shalt  }
0x65: {  	_ =	shalt  }
0x66: {  	_ =	shalt  }
0x67: {  	_ =	shalt  }
0x68: {  	_ =	shalt  }
0x69: {  	_ =	shalt  }
0x6a: {  	_ =	shalt  }
0x6b: {  	_ =	shalt  }
0x6c: {  	_ =	shalt  }
0x6d: {  	_ =	shalt  }
0x6e: {  	_ =	shalt  }
0x6f: {  	_ =	shalt  }
0x70: {  	_ =	shalt  }
0x71: {  	_ =	shalt  }
0x72: {  	_ =	shalt  }
0x73: {  	_ =	shalt  }
0x74: {  	_ =	shalt  }
0x75: {  	_ =	shalt  }
0x76: {  	_ =	shalt  }
0x77: {  	_ =	shalt  }
0x78: {  	_ =	shalt  }
0x79: {  	_ =	shalt  }
0x7a: {  	_ =	shalt  }
0x7b: {  	_ =	shalt  }
0x7c: {  	_ =	shalt  }
0x7d: {  	_ =	shalt  }
0x7e: {  	_ =	shalt  }
0x7f: {  	_ =	shalt  }
0x80: {  	_ =	shalt  }
0x81: {  	_ =	shalt  }
0x82: {  	_ =	shalt  }
0x83: {  	_ =	shalt  }
0x84: {  	_ =	shalt  }
0x85: {  	_ =	shalt  }
0x86: {  	_ =	shalt  }
0x87: {  	_ =	shalt  }
.Lfunc_end0:
.L_simem_size_0:
called_computation_lowered:
.L_overlay_start_0:
0x88: {  	s2 =	sld [smem:$0x3FD9]  }
0x89: {  	s3 =	sld [smem:$0x3FFE];
	_ =	sdelay $0x1  }
0x8a: {  	s1 =	srdreg.scid  }
0x8b: {  	s0 =	sand.u32 $0x1, s1  }
0x8c: {  	s17 =	sshll.u32 s0, $0xA;
	s2 =	sadd.s32 s3, s2  }
0x8d: {  	s2 =	sadd.s32 s2, s17  }
0x8e: {  	[smem:$0x3FBA] =	sst s2  }
0x8f: {  	_ = 	snop  }
0x90: {  	s2 =	sld [smem:$0x3FC8];
	(tm) =	ssettm $0x1  }
0x91: {  	s18 =	sld [smem:$0x3FFB];
	_ =	sdelay $0x3  }
0x92: {  	_ =	strace s18  }
0x93: {  	s3 =	sld [smem:$0x3FFC];
	_ =	sdelay $0x3  }
0x94: {  	_ =	strace s3  }
0x95: {  	s3 =	sld [smem:$0x3FFD];
	_ =	sdelay $0x3  }
0x96: {  	_ =	strace s3  }
0x97: {  	_ =	strace $0x8FFFFFFF  }
0x98: {  	s19 =	sld [smem:$0x3FDB];
	_ =	sdelay $0x1  }
0x99: {  	s4 =	simm.s32 $_scs_section_size  }
0x9a: {  	s5 =	simm.s32 $_size__tile_overlayer_lowered;
	s6 =	simm.s32 $_tile_overlayer_lowered  }
0x9b: {  	s22 =	simm.s32 $0x1BFF;
	s21 =	sshll.u32 s6, $0x1;
	s3 =	sadd.s32 s4, s19  }
0x9c: {  	s7 =	simm.s32 $0x0;
	s20 =	sshll.u32 s5, $0x1;
	s5 =	sadd.s32 s21, s3  }
0x9d: {  	[timem:s7], [sflag:s22] =	dma.local [hbm:s5], s20  }
0x9e: {  	_ =	swait.ge [sflag:s22], s20  }
0x9f: {  	s4 =	ssub.s32 $0x0, s20;
	[sflag:s22] =	ssyncset.done $0x0  }
0xa0: {  	[sflag:s22] =	ssyncadd.s32 s4;
	_ =	sdelay $0x1  }
0xa1: {  	s23 =	simm.s32 $0x1B8B  }
0xa2: {  	_ =	swait.ge [sflag:s23], $0x1  }
0xa3: {  	[sflag:s23] =	ssyncset.done $0x0  }
0xa4: {  	s25 =	simm.s32 $0x1B8E;
	s24 =	sld [smem:$0x3FFE];
	[sflag:s23] =	ssyncadd.s32 $0xFFFFFFFF  }
0xa5: {  	s26 =	simm.s32 $execute0_lowered;
	[smem:$0x3FD2] =	sst s25  }
0xa6: {  	s5 =	sshll.u32 s26, $0x1;
	_ =	strace $0x80000046;
	[dreg:$0x1] =	wrdreg $0xFFFFFFFF  }
0xa7: {  	s28 =	simm.s32 $_size_execute0_lowered;
	s3 =	sadd.s32 s3, s5;
	[dreg:$0x0] =	wrdreg $0x0  }
0xa8: {  	s5 =	sshll.u32 s28, $0x1;
	[dreg:$0x2] =	wrdreg s3  }
0xa9: {  	[dreg:$0x3] =	wrdreg s5  }
0xaa: {  	[dreg:$0x4] =	wrdreg $0xC0  }
0xab: {  	_ =	task [dreg:s7], $0x5FFFF  }
0xac: {  	[dreg:$0x1] =	wrdreg $0xFFFFFFFF  }
0xad: {  	[dreg:$0x0] =	wrdreg $0x60  }
0xae: {  	[dreg:$0x2] =	wrdreg s2  }
0xaf: {  	[dreg:$0x3] =	wrdreg s24  }
0xb0: {  	[dreg:$0x4] =	wrdreg $0x9000  }
0xb1: {  	[dreg:$0x5] =	wrdreg $0x9  }
0xb2: {  	_ =	task.clear_ibuf [dreg:s7], $0x6FFFF;
	_ =	strace $0x90000046  }
0xb3: {  	s29 =	simm.s32 $0x9;
	_ =	strace $0x80000048  }
0xb4: {  	_ =	swait.ge [sflag:s29], $0x1  }
0xb5: {  	[sflag:s29] =	ssyncadd.s32 $0xFFFFFFFF  }
0xb6: {  	_ =	strace $0x90000048  }
0xb7: {  	_ =	sfence  }
0xb8: {  	s30 =	sld [smem:$0x0];
	_ =	sdelay $0x2  }
0xb9: {  	s31 =	sshll.u32 s1, $0xD;
	s1 =	sshrl.u32 s1, $0x2  }
0xba: {  	s3 =	sand.u32 $0x4000, s31;
	s1 =	sadd.s32 s1, s30  }
0xbb: {  	s0 =	sor.u32 s3, s0;
	s1 =	sshll.u32 s1, $0x11  }
0xbc: {  	s0 =	sor.u32 s1, s0  }
0xbd: {  	s0 =	sadd.s32 $0x8F2B, s0  }
0xbe: {  	[sflag:s0] =	ssyncadd.remote.s32 $0x1  }
0xbf: {  	_ =	sfence.sel $0xFFFF  }
0xc0: {  	[dreg:$0x0] =	wrdreg $0xFFFFFFFF;
	(pc) =	sbr.abs _section_cstart, $3  }
0xc1: {  	[dreg:$0x1] =	wrdreg $0xFFFFFFFF  }
0xc2: {  	_ =	task.clear_ibuf [dreg:s7], $0x2FFFF;
	_ =	strace $0x9FFFFFFF  }
0xc3: {  	(tm) =	ssettm $0x7FFFFFFF  }
tec
execute0_lowered:
.L_overlay_start_1:
0x0: {  	(tag) =	ssettag $0x1  }
0x1: {  	s7 =	rddreg [dreg:$0x0]  }
0x2: {  	s4 =	rddreg [dreg:$0x1]  }
0x3: {  	s0 =	srdreg.scid;
	s1 =	rddreg [dreg:$0x2];
	s2 =	simm.s32 $0x0  }
0x4: {  	s3 =	stileid.u32;
	s5 =	sand.u32 $0x1, s0;
	s0 =	rddreg [dreg:$0x3]  }
0x5: {  	s14 =	simm.s32 $0x10;
	[smem:$0x7FF] =	sst s2;
	s12 =	sshll.u32 s3, $0xB  }
0x6: {  	s15 =	sadd.s32 $0x10, s7;
	p0 =	sgt.u32 s3, $0x3;
	s6 =	smul.u32 $0x480, s5  }
0x7: {  	s17 =	sshll.u32 s3, $0x8;
	s18 =	sshll.u32 s3, $0x6;
	s8 =	smul.u32 $0x11, s5  }
0x8: {  	_ =	strace $0x80000047;
	s9 =	ssub.s32 $0x2, s5;
	s11 =	smul.u32 $0x220, s5  }
0x9: {  	s5 =	sshll.u32 s5, $0x4;
	p1 =	sne.s32 @p0 s3, $0x4;
	s29 =	sshrl.u32 s9, $0x1  }
0xa: {  	p2 =	por p1, !p0;
	p3 =	por !p1, !p0;
	p1 =	sne.s32 s3, $0x0  }
0xb: {  	s10 =	sadd.s32 s6, s4;
	s30 =	sadd.s32 s3, s8;
	s9 =	ssub.s32 s9, s29  }
0xc: {  	s4 =	sadd.s32 $0x2000, s1;
	s11 =	sand.u32 $0x300, s11;
	s8 =	sshll.u32 s30, $0x2  }
0xd: {  	s6 =	sshll.u32 s30, $0x1;
	s31 =	sor.u32 s5, s11;
	s5 =	sadd.s32 s12, s1  }
0xe: {  	s9 =	smax.u32 s9, $0x1;
	s8 =	sand.u32 $0xE0, s8;
	s6 =	sand.u32 $0xE, s6  }
.Ltmp0:
0xf: {  	s13 =	sor.u32 s6, s8;
	s8 =	sadd.s32 $0x200, s31;
	(pc) =	sbr.rel .LBB2_1-.Ltmp0, $4  }
0x10: {  	s12 =	simm.s32 $0x80;
	s6 =	sadd.s32 s7, s13;
	s16 =	sshrl.u32 s8, $0x3  }
0x11: {  	s8 =	sadd.s32 $0x2400, s10;
	s10 =	simm.s32 $0x1;
	s11 =	sadd.s32 s13, s15  }
0x12: {  	v1 =	vlaneseq.u32;
	s13 =	simm.s32 $0x100;
	s7 =	sadd.s32 s7, s16;
	s15 =	sadd.s32 s16, s15  }
0x13: {  	v0 =	vimm.f32 $0.0e+00;
	v2 =	vimm.f32 $1.000000000e+00;
	v1 =	vmul.u32 $0x80, v1;
	s16 =	sadd.s32 s17, s8;
	s17 =	sor.u32 $0x1C01, s18;
	s18 =	sshrl.u32 s5, $0x3  }
.LBB2_2:
0x14: {  	[tilespmem:s2], [sflag:$0x1] =	stream.linear.gather [hbm4b:s7+s2], $0x10, $0x38;
	[tilespmem:$0xB20] =	vst v63  }
0x15: {  	_ =	swait.ge [sflag:s10], $0x10  }
0x16: {  	[sflag:s10] =	ssyncset.done $0x0  }
0x17: {  	[sflag:s10] =	ssyncadd.s32 $0xFFFFFFF0  }
0x18: {  	[tilespmem:s12], [sflag:$0x1] =	stream.linear.gather [hbm4b:s15+s2], $0x10, $0x38;
	[tilespmem:$0xB20] =	vst v63  }
0x19: {  	_ =	swait.ge [sflag:s10], $0x10  }
0x1a: {  	[sflag:s10] =	ssyncset.done $0x0  }
0x1b: {  	[sflag:s10] =	ssyncadd.s32 $0xFFFFFFF0  }
0x1c: {  	v3 =	vld [tilespmem:$0x0];
	_ =	sdelay $0x4  }
0x1d: {  	v3 =	vadd.s32 v1, v3;
	_ =	sdelay $0x4  }
0x1e: {  	[tilespmem:v3+s13+$0x0] =	vst.idx.msk $0xffff, v2  }
0x1f: {  	[spmem:s1] =	stream.indirect.scatter.add.f32 [tilespmem:s13], [sflag:$0x1], $0x80, s12, s14, $0xb8;
	[tilespmem:$0xB20] =	vst v63  }
0x20: {  	_ =	swait.ge [sflag:s10], $0x800  }
0x21: {  	[sflag:s10] =	ssyncset.done $0x0  }
0x22: {  	[sflag:s10] =	ssyncadd.s32 $0xFFFFF800  }
0x23: {  	[tilespmem:v3+s13+$0x0] =	vst.idx.msk $0xffff, v0  }
0x24: {  	[bflag:$0x0] =	sbarrier.arrive $0xFFFF  }
.LBB2_4:
0x25: {  	[hbm:s16], [sflag:s17] =	dma.local [spmem:s18], $0x100  }
0x26: {  	_ =	swait.ge [sflag:s10], $0x100  }
0x27: {  	[sflag:s10] =	ssyncset.done $0x0  }
0x28: {  	[sflag:s10] =	ssyncadd.s32 $0xFFFFFF00  }
.LBB2_5:
0x29: {  	p4 =	por @p0 $0x0, $0x0;
	p5 =	por @!p2 $0x1, $0x1  }
0x2a: {  	p5 =	por @!p3 p4, p4;
	p4 =	por @!p0 $0x0, $0x0  }
0x2b: {  	s9 =	sadd.s32 $0xFFFFFFFF, s9;
	p5 =	por @!p0 p4, p4  }
0x2c: {  	p4 =	sne.s32 s9, $0x0;
	s19 =	sshll.u32 @p5 s3, $0x6  }
0x2d: {  	s20 =	sadd.s32 @p5 $0x400, s8;
	s21 =	sshrl.u32 @p5 s4, $0x3;
	s19 =	sor.u32 @p5 $0x1C01, s19  }
0x2e: {  	[hbm:s20], [sflag:s19] =	dma.local @p5 [spmem:s21], $0x40  }
.Ltmp1:
0x2f: {  	_ = 	snop;
	(pc) =	sbr.rel @!p4 .LBB2_6-.Ltmp1, $4  }
0x30: {  	s19 =	simm.s32 @p5 $0x1  }
0x31: {  	_ =	swait.ge @p5 [sflag:s19], $0x40  }
0x32: {  	[sflag:s19] =	ssyncset.done @p5 $0x0  }
0x33: {  	[sflag:s19] =	ssyncadd.s32 @p5 $0xFFFFFFC0  }
.LBB2_1:
0x34: {  	[tilespmem:$0x100] =	vst v0  }
0x35: {  	[tilespmem:$0x110] =	vst v0  }
0x36: {  	[tilespmem:$0x120] =	vst v0  }
0x37: {  	[tilespmem:$0x130] =	vst v0  }
0x38: {  	[tilespmem:$0x140] =	vst v0  }
0x39: {  	[tilespmem:$0x150] =	vst v0  }
0x3a: {  	[tilespmem:$0x160] =	vst v0  }
0x3b: {  	[tilespmem:$0x170] =	vst v0  }
0x3c: {  	[tilespmem:$0x180] =	vst v0  }
0x3d: {  	[tilespmem:$0x190] =	vst v0  }
0x3e: {  	[tilespmem:$0x1A0] =	vst v0  }
0x3f: {  	[tilespmem:$0x1B0] =	vst v0  }
0x40: {  	[tilespmem:$0x1C0] =	vst v0  }
0x41: {  	[tilespmem:$0x1D0] =	vst v0  }
0x42: {  	[tilespmem:$0x1E0] =	vst v0  }
0x43: {  	[tilespmem:$0x1F0] =	vst v0  }
0x44: {  	[tilespmem:$0x200] =	vst v0  }
0x45: {  	[tilespmem:$0x210] =	vst v0  }
0x46: {  	[tilespmem:$0x220] =	vst v0  }
0x47: {  	[tilespmem:$0x230] =	vst v0  }
0x48: {  	[tilespmem:$0x240] =	vst v0  }
0x49: {  	[tilespmem:$0x250] =	vst v0  }
0x4a: {  	[tilespmem:$0x260] =	vst v0  }
0x4b: {  	[tilespmem:$0x270] =	vst v0  }
0x4c: {  	[tilespmem:$0x280] =	vst v0  }
0x4d: {  	[tilespmem:$0x290] =	vst v0  }
0x4e: {  	[tilespmem:$0x2A0] =	vst v0  }
0x4f: {  	[tilespmem:$0x2B0] =	vst v0  }
0x50: {  	[tilespmem:$0x2C0] =	vst v0  }
0x51: {  	[tilespmem:$0x2D0] =	vst v0  }
0x52: {  	[tilespmem:$0x2E0] =	vst v0  }
0x53: {  	[tilespmem:$0x2F0] =	vst v0  }
0x54: {  	[tilespmem:$0x300] =	vst v0  }
0x55: {  	[tilespmem:$0x310] =	vst v0  }
0x56: {  	[tilespmem:$0x320] =	vst v0  }
0x57: {  	[tilespmem:$0x330] =	vst v0  }
0x58: {  	[tilespmem:$0x340] =	vst v0  }
0x59: {  	[tilespmem:$0x350] =	vst v0  }
0x5a: {  	[tilespmem:$0x360] =	vst v0  }
0x5b: {  	[tilespmem:$0x370] =	vst v0  }
0x5c: {  	[tilespmem:$0x380] =	vst v0  }
0x5d: {  	[tilespmem:$0x390] =	vst v0  }
0x5e: {  	[tilespmem:$0x3A0] =	vst v0  }
0x5f: {  	[tilespmem:$0x3B0] =	vst v0  }
0x60: {  	[tilespmem:$0x3C0] =	vst v0  }
0x61: {  	[tilespmem:$0x3D0] =	vst v0  }
0x62: {  	[tilespmem:$0x3E0] =	vst v0  }
0x63: {  	[tilespmem:$0x3F0] =	vst v0  }
0x64: {  	[tilespmem:$0x400] =	vst v0  }
0x65: {  	[tilespmem:$0x410] =	vst v0  }
0x66: {  	[tilespmem:$0x420] =	vst v0  }
0x67: {  	[tilespmem:$0x430] =	vst v0  }
0x68: {  	[tilespmem:$0x440] =	vst v0  }
0x69: {  	[tilespmem:$0x450] =	vst v0  }
0x6a: {  	[tilespmem:$0x460] =	vst v0  }
0x6b: {  	[tilespmem:$0x470] =	vst v0  }
0x6c: {  	[tilespmem:$0x480] =	vst v0  }
0x6d: {  	[tilespmem:$0x490] =	vst v0  }
0x6e: {  	[tilespmem:$0x4A0] =	vst v0  }
0x6f: {  	[tilespmem:$0x4B0] =	vst v0  }
0x70: {  	[tilespmem:$0x4C0] =	vst v0  }
0x71: {  	[tilespmem:$0x4D0] =	vst v0  }
0x72: {  	[tilespmem:$0x4E0] =	vst v0  }
0x73: {  	[tilespmem:$0x4F0] =	vst v0  }
0x74: {  	[tilespmem:$0x500] =	vst v0  }
0x75: {  	[tilespmem:$0x510] =	vst v0  }
0x76: {  	[tilespmem:$0x520] =	vst v0  }
0x77: {  	[tilespmem:$0x530] =	vst v0  }
0x78: {  	[tilespmem:$0x540] =	vst v0  }
0x79: {  	[tilespmem:$0x550] =	vst v0  }
0x7a: {  	[tilespmem:$0x560] =	vst v0  }
0x7b: {  	[tilespmem:$0x570] =	vst v0  }
0x7c: {  	[tilespmem:$0x580] =	vst v0  }
0x7d: {  	[tilespmem:$0x590] =	vst v0  }
0x7e: {  	[tilespmem:$0x5A0] =	vst v0  }
0x7f: {  	[tilespmem:$0x5B0] =	vst v0  }
0x80: {  	[tilespmem:$0x5C0] =	vst v0  }
0x81: {  	[tilespmem:$0x5D0] =	vst v0  }
0x82: {  	[tilespmem:$0x5E0] =	vst v0  }
0x83: {  	[tilespmem:$0x5F0] =	vst v0  }
0x84: {  	[tilespmem:$0x600] =	vst v0  }
0x85: {  	[tilespmem:$0x610] =	vst v0  }
0x86: {  	[tilespmem:$0x620] =	vst v0  }
0x87: {  	[tilespmem:$0x630] =	vst v0  }
0x88: {  	[tilespmem:$0x640] =	vst v0  }
0x89: {  	[tilespmem:$0x650] =	vst v0  }
0x8a: {  	[tilespmem:$0x660] =	vst v0  }
0x8b: {  	[tilespmem:$0x670] =	vst v0  }
0x8c: {  	[tilespmem:$0x680] =	vst v0  }
0x8d: {  	[tilespmem:$0x690] =	vst v0  }
0x8e: {  	[tilespmem:$0x6A0] =	vst v0  }
0x8f: {  	[tilespmem:$0x6B0] =	vst v0  }
0x90: {  	[tilespmem:$0x6C0] =	vst v0  }
0x91: {  	[tilespmem:$0x6D0] =	vst v0  }
0x92: {  	[tilespmem:$0x6E0] =	vst v0  }
0x93: {  	[tilespmem:$0x6F0] =	vst v0  }
0x94: {  	[tilespmem:$0x700] =	vst v0  }
0x95: {  	[tilespmem:$0x710] =	vst v0  }
0x96: {  	[tilespmem:$0x720] =	vst v0  }
0x97: {  	[tilespmem:$0x730] =	vst v0  }
0x98: {  	[tilespmem:$0x740] =	vst v0  }
0x99: {  	[tilespmem:$0x750] =	vst v0  }
0x9a: {  	[tilespmem:$0x760] =	vst v0  }
0x9b: {  	[tilespmem:$0x770] =	vst v0  }
0x9c: {  	[tilespmem:$0x780] =	vst v0  }
0x9d: {  	[tilespmem:$0x790] =	vst v0  }
0x9e: {  	[tilespmem:$0x7A0] =	vst v0  }
0x9f: {  	[tilespmem:$0x7B0] =	vst v0  }
0xa0: {  	[tilespmem:$0x7C0] =	vst v0  }
0xa1: {  	[tilespmem:$0x7D0] =	vst v0  }
0xa2: {  	[tilespmem:$0x7E0] =	vst v0  }
0xa3: {  	[tilespmem:$0x7F0] =	vst v0  }
0xa4: {  	[tilespmem:$0x800] =	vst v0  }
0xa5: {  	[tilespmem:$0x810] =	vst v0  }
0xa6: {  	[tilespmem:$0x820] =	vst v0  }
0xa7: {  	[tilespmem:$0x830] =	vst v0  }
0xa8: {  	[tilespmem:$0x840] =	vst v0  }
0xa9: {  	[tilespmem:$0x850] =	vst v0  }
0xaa: {  	[tilespmem:$0x860] =	vst v0  }
0xab: {  	[tilespmem:$0x870] =	vst v0  }
0xac: {  	[tilespmem:$0x880] =	vst v0  }
0xad: {  	[tilespmem:$0x890] =	vst v0  }
0xae: {  	[tilespmem:$0x8A0] =	vst v0  }
0xaf: {  	[tilespmem:$0x8B0] =	vst v0  }
0xb0: {  	[tilespmem:$0x8C0] =	vst v0  }
0xb1: {  	[tilespmem:$0x8D0] =	vst v0  }
0xb2: {  	[tilespmem:$0x8E0] =	vst v0  }
0xb3: {  	[tilespmem:$0x8F0] =	vst v0;
	s19 =	simm.s32 @!p2 $0x100  }
0xb4: {  	[spmem:s4] =	stream.linear.scatter @!p2 [tilespmem:s19], [sflag:$0x1], $0x200, $0x38;
	[tilespmem:$0xB20] =	vst v63  }
0xb5: {  	s19 =	simm.s32 @!p2 $0x1  }
0xb6: {  	_ =	swait.ge @!p2 [sflag:s19], $0x200  }
0xb7: {  	[sflag:s19] =	ssyncset.done @!p2 $0x0  }
0xb8: {  	[sflag:s19] =	ssyncadd.s32 @!p2 $0xFFFFFE00;
	s19 =	simm.s32 @!p0 $0x100  }
0xb9: {  	[spmem:s5] =	stream.linear.scatter @!p0 [tilespmem:s19], [sflag:$0x1], $0x800, $0x38;
	[tilespmem:$0xB20] =	vst v63  }
0xba: {  	s19 =	simm.s32 @!p0 $0x1  }
0xbb: {  	_ =	swait.ge @!p0 [sflag:s19], $0x800  }
0xbc: {  	[sflag:s19] =	ssyncset.done @!p0 $0x0  }
0xbd: {  	[sflag:s19] =	ssyncadd.s32 @!p0 $0xFFFFF800  }
0xbe: {  	[bflag:$0x0] =	sbarrier.arrive $0xFFFF  }
0xbf: {  	[tilespmem:s2], [sflag:$0x1] =	stream.linear.gather [hbm4b:s6+s2], $0x10, $0x38;
	[tilespmem:$0xB20] =	vst v63  }
0xc0: {  	_ =	swait.ge [sflag:s10], $0x10  }
0xc1: {  	[sflag:s10] =	ssyncset.done $0x0  }
0xc2: {  	[sflag:s10] =	ssyncadd.s32 $0xFFFFFFF0  }
0xc3: {  	[tilespmem:s12], [sflag:$0x1] =	stream.linear.gather [hbm4b:s11+s2], $0x10, $0x38;
	[tilespmem:$0xB20] =	vst v63  }
0xc4: {  	_ =	swait.ge [sflag:s10], $0x10  }
0xc5: {  	[sflag:s10] =	ssyncset.done $0x0  }
0xc6: {  	[sflag:s10] =	ssyncadd.s32 $0xFFFFFFF0  }
0xc7: {  	v3 =	vld [tilespmem:$0x0];
	_ =	sdelay $0x4  }
0xc8: {  	v3 =	vadd.s32 v1, v3;
	_ =	sdelay $0x4  }
0xc9: {  	[tilespmem:v3+s13+$0x0] =	vst.idx.msk $0xffff, v2  }
0xca: {  	[spmem:s1] =	stream.indirect.scatter.add.f32 [tilespmem:s13], [sflag:$0x1], $0x80, s12, s14, $0xb8;
	[tilespmem:$0xB20] =	vst v63  }
.Ltmp2:
0xcb: {  	_ = 	snop;
	(pc) =	sbr.rel @!p1 .LBB2_2-.Ltmp2, $4  }
0xcc: {  	_ =	swait.ge [sflag:s10], $0x800  }
0xcd: {  	[sflag:s10] =	ssyncset.done $0x0  }
0xce: {  	[sflag:s10] =	ssyncadd.s32 $0xFFFFF800  }
0xcf: {  	[tilespmem:v3+s13+$0x0] =	vst.idx.msk $0xffff, v0  }
.Ltmp3:
0xd0: {  	(pc) =	sbr.rel @p0 .LBB2_5-.Ltmp3, $4  }
.Ltmp4:
0xd1: {  	(pc) =	sbr.rel @!p0 .LBB2_4-.Ltmp4, $4  }
0xd2: {  	_ = 	snop  }
0xd3: {  	[bflag:$0x0] =	sbarrier.arrive $0xFFFF  }
0xd4: {  	_ = 	snop  }
0xd5: {  	_ = 	snop  }
.LBB2_6:
0xd6: {  	_ =	sfence.sel $0x180000  }
0xd7: {  	[bflag:$0x0] =	sbarrier.arrive $0xFFFF  }
0xd8: {  	_ =	strace $0x90000047  }
0xd9: {  	s0 =	sadd.s32 @!p1 $0x100000, s0;
	[bflag:$0x2] =	sbarrier.arrive $0xFFFF  }
0xda: {  	[sflag:s0] =	ssyncadd.tile.s32 @!p1 $0x1;
	_ =	shalt  }
.Lfunc_end2:
_tile_overlayer_lowered:
.L_overlay_start_2:
0xdb: {  	(tag) =	ssettag $0x2  }
0xdc: {  	s0 =	rddreg [dreg:$0x0];
	s2 =	stileid.u32  }
0xdd: {  	s1 =	rddreg [dreg:$0x1];
	p0 =	sne.s32 s2, $0x0  }
0xde: {  	s3 =	rddreg [dreg:$0x2];
	[bflag:$0x3] =	sbarrier.arrive $0xFFFF;
	s2 =	simm.s32 @!p0 $0x1C01  }
0xdf: {  	[timem:s3], [sflag:s2] =	dma.local @!p0 [hbm:s0], s1  }
0xe0: {  	s0 =	simm.s32 @!p0 $0x1  }
0xe1: {  	_ =	swait.ge @!p0 [sflag:s0], s1  }
0xe2: {  	s1 =	ssub.s32 @!p0 $0x0, s1;
	[sflag:s0] =	ssyncset.done @!p0 $0x0  }
0xe3: {  	[sflag:s0] =	ssyncadd.s32 @!p0 s1  }
0xe4: {  	[bflag:$0x3] =	sbarrier.arrive $0xFFFF  }
0xe5: {  	_ =	shalt  }

</sc_bundles>
